<compile_context>
chip_gen: v7x
topology: tpu7x:2x2x1
jax: 0.10.2.dev20260603
libtpu: 0.0.44.dev20260713+nightly
codegen_flags: <defaults>
</compile_context>

<pallas_src>
import functools

import jax
import jax.numpy as jnp
from jax import lax
from jax.experimental import pallas as pl
from jax.experimental.pallas import tpu as pltpu
from jax.experimental.pallas import tpu_sc as plsc

N_TOK = 2048
D_MODEL = 768
D_FF = 1536
N_EXP = 64
CAP = 64
N_SLOT = N_EXP * CAP
CHUNK = 256
SCHUNK = 512
NC, NS = 2, 16
NW = NC * NS
TPW = N_TOK // NW

_f32 = jnp.float32


def _fiota(shape, dim):
    return lax.broadcasted_iota(jnp.int32, shape, dim).astype(_f32)


def _tr(vcol):
    n = vcol.shape[0]
    c = min(CHUNK, n)
    outs = []
    for off in range(0, n, c):
        ic = lax.broadcasted_iota(jnp.int32, (n, c), 0)
        ir = lax.broadcasted_iota(jnp.int32, (n, c), 1) + off
        m = jnp.where(ic == ir, vcol, 0.0)
        outs.append(jnp.sum(m, axis=0, keepdims=True))
    return outs[0] if len(outs) == 1 else jnp.concatenate(outs, axis=1)


def _trc(vrow):
    n = vrow.shape[1]
    c = min(CHUNK, n)
    outs = []
    for off in range(0, n, c):
        ic = lax.broadcasted_iota(jnp.int32, (c, n), 0) + off
        ir = lax.broadcasted_iota(jnp.int32, (c, n), 1)
        m = jnp.where(ic == ir, vrow, 0.0)
        outs.append(jnp.sum(m, axis=1, keepdims=True))
    return outs[0] if len(outs) == 1 else jnp.concatenate(outs, axis=0)


def _dispatch_body(x_ref, wr_ref, slotof_ref, w_ref):
    x = x_ref[...]
    logits = jnp.dot(x, wr_ref[...], preferred_element_type=_f32)
    mx = jnp.max(logits, axis=1, keepdims=True)
    ex = jnp.exp(logits - mx)
    gates = ex / jnp.sum(ex, axis=1, keepdims=True)
    gate_col = jnp.max(gates, axis=1, keepdims=True)
    eio = _fiota((N_TOK, N_EXP), 1)
    assign_col = jnp.min(
        jnp.where(gates == gate_col, eio, float(N_EXP)), axis=1, keepdims=True)

    gate_row = _tr(gate_col)
    assign_row = _tr(assign_col)

    i_p = _fiota((N_TOK, CHUNK), 0)
    rank_chunks = []
    for off in range(0, N_TOK, CHUNK):
        g_t = gate_row[:, off:off + CHUNK]
        a_t = assign_row[:, off:off + CHUNK]
        i_t = _fiota((1, CHUNK), 1) + float(off)
        same = assign_col == a_t
        beat = (gate_col > g_t) | ((gate_col == g_t) & (i_p < i_t))
        rank_chunks.append(
            jnp.sum(jnp.where(same & beat, 1.0, 0.0), axis=0, keepdims=True))
    rank_row = jnp.concatenate(rank_chunks, axis=1)
    kept_row = rank_row < float(CAP)
    dropped_rowf = jnp.where(kept_row, 0.0, 1.0)
    dropped_col = _trc(dropped_rowf)

    d_chunks = []
    for off in range(0, N_TOK, CHUNK):
        i_t = _fiota((1, CHUNK), 1) + float(off)
        m = jnp.where(i_p < i_t, dropped_col, 0.0)
        d_chunks.append(jnp.sum(m, axis=0, keepdims=True))
    d_row = jnp.concatenate(d_chunks, axis=1)

    e_row64 = _fiota((1, N_EXP), 1)
    ecmp = assign_col == e_row64
    count_row = jnp.sum(jnp.where(ecmp, 1.0, 0.0), axis=0, keepdims=True)
    count_row = jnp.minimum(count_row, float(CAP))
    count_col = _trc(count_row)
    i0 = _fiota((N_EXP, N_EXP), 0)
    i1 = _fiota((N_EXP, N_EXP), 1)
    free_per_exp = float(CAP) - count_col
    pf_row = jnp.sum(jnp.where(i0 < i1, free_per_exp, 0.0),
                     axis=0, keepdims=True)

    e_col64 = _fiota((N_EXP, 1), 0)
    pf_col = _trc(pf_row)
    sel = (pf_col <= d_row) & (d_row < pf_col + free_per_exp)
    park_base = jnp.sum(
        jnp.where(sel, e_col64 * float(CAP) + count_col - pf_col, 0.0),
        axis=0, keepdims=True)
    park_row = park_base + d_row
    kept_slot = assign_row * float(CAP) + rank_row
    slotof = jnp.where(kept_row, kept_slot, park_row)
    slotof = jnp.clip(slotof, 0.0, float(N_SLOT - 1))
    slotof_ref[...] = slotof.astype(jnp.int32)
    w_ref[...] = jnp.where(kept_row, gate_row, 0.0)


def _ffn_body(xe_ref, w1_ref, b1_ref, w2_ref, b2_ref, wm_ref, out_ref):
    xe = xe_ref[0]
    h = jnp.maximum(
        jnp.dot(xe, w1_ref[0], preferred_element_type=_f32) + b1_ref[0], 0.0)
    y = jnp.dot(h, w2_ref[0], preferred_element_type=_f32) + b2_ref[0]
    out_ref[0] = xe + wm_ref[0] * y


def _make_dispatch(interpret=False):
    return pl.pallas_call(
        _dispatch_body,
        out_shape=(
            jax.ShapeDtypeStruct((1, N_TOK), jnp.int32),
            jax.ShapeDtypeStruct((1, N_TOK), _f32),
        ),
        interpret=interpret,
    )


def _make_ffn(interpret=False):
    return pl.pallas_call(
        _ffn_body,
        grid=(N_EXP,),
        in_specs=[
            pl.BlockSpec((1, CAP, D_MODEL), lambda e: (e, 0, 0)),
            pl.BlockSpec((1, D_MODEL, D_FF), lambda e: (e, 0, 0)),
            pl.BlockSpec((1, 1, D_FF), lambda e: (e, 0, 0)),
            pl.BlockSpec((1, D_FF, D_MODEL), lambda e: (e, 0, 0)),
            pl.BlockSpec((1, 1, D_MODEL), lambda e: (e, 0, 0)),
            pl.BlockSpec((1, CAP, 1), lambda e: (e, 0, 0)),
        ],
        out_specs=pl.BlockSpec((1, CAP, D_MODEL), lambda e: (e, 0, 0)),
        out_shape=jax.ShapeDtypeStruct((N_EXP, CAP, D_MODEL), _f32),
        compiler_params=pltpu.CompilerParams(
            dimension_semantics=("arbitrary",)),
        interpret=interpret,
    )


@functools.lru_cache(maxsize=1)
def _make_sc_kernels():
    mesh = plsc.VectorSubcoreMesh(core_axis_name="c", subcore_axis_name="s")

    @functools.partial(
        pl.kernel,
        out_type=(
            jax.ShapeDtypeStruct((N_SLOT, D_MODEL), _f32),
            jax.ShapeDtypeStruct((N_SLOT,), _f32),
        ),
        mesh=mesh,
        scratch_types=[
            pltpu.VMEM((TPW,), jnp.int32),
            pltpu.VMEM((TPW, D_MODEL), _f32),
            pltpu.VMEM((TPW,), _f32),
            pltpu.SemaphoreType.DMA,
            pltpu.SemaphoreType.DMA,
        ],
    )
    def sc_spread(x_hbm, sidx_hbm, wtok_hbm, xe_hbm, wslot_hbm,
                  idx_v, rows_v, w_v, sem, wsem):
        wid = lax.axis_index("s") * NC + lax.axis_index("c")
        base = wid * TPW
        pltpu.sync_copy(sidx_hbm.at[wid], idx_v)
        pltpu.sync_copy(wtok_hbm.at[wid], w_v)
        pltpu.sync_copy(x_hbm.at[pl.ds(base, TPW)], rows_v)
        wcp = pltpu.async_copy(w_v, wslot_hbm.at[idx_v], wsem)
        pltpu.async_copy(rows_v, xe_hbm.at[idx_v], sem).wait()
        wcp.wait()

    @functools.partial(
        pl.kernel,
        out_type=jax.ShapeDtypeStruct((N_TOK, D_MODEL), _f32),
        mesh=mesh,
        scratch_types=[
            pltpu.VMEM((TPW,), jnp.int32),
            pltpu.VMEM((TPW, D_MODEL), _f32),
            pltpu.SemaphoreType.DMA,
        ],
    )
    def sc_collect(contrib_hbm, sidx_hbm, out_hbm, idx_v, rows_v, sem):
        wid = lax.axis_index("s") * NC + lax.axis_index("c")
        base = wid * TPW
        pltpu.sync_copy(sidx_hbm.at[wid], idx_v)
        pltpu.async_copy(contrib_hbm.at[idx_v], rows_v, sem).wait()
        pltpu.sync_copy(rows_v, out_hbm.at[pl.ds(base, TPW)])

    return sc_spread, sc_collect


def kernel(x, Wr, W1, b1, W2, b2):
    _sc_spread, _sc_collect = _make_sc_kernels()
    slotof, wtok = _make_dispatch()(x, Wr)
    sidx = slotof.reshape(NW, TPW)
    xe, wslot = _sc_spread(x, sidx, wtok.reshape(NW, TPW))
    contrib = _make_ffn()(
        xe.reshape(N_EXP, CAP, D_MODEL), W1, b1.reshape(N_EXP, 1, D_FF),
        W2, b2.reshape(N_EXP, 1, D_MODEL),
        wslot.reshape(N_EXP, CAP, 1))
    return _sc_collect(contrib.reshape(N_SLOT, D_MODEL), sidx)

# --- scband reference (transcript-rebuilt; emitter-appended) ---
"""Pipeline reference for scband-sparse-mo-ealu-62380105007633 (READ-ONLY COPY).

The authoritative reference and input builder live on the scoring server;
editing this copy changes nothing except your own understanding.
"""

import jax, jax.numpy as jnp
import numpy as np

N_TOKENS = 2048
D_MODEL = 768
D_FF = 1536
N_EXPERTS = 64
CAPACITY = 64


def setup_inputs(seed: int = 0) -> dict:
    key = jax.random.key(seed)
    ks = jax.random.split(key, 6)
    x = jax.random.normal(ks[0], (N_TOKENS, D_MODEL), dtype=jnp.float32)
    Wr = jax.random.normal(ks[1], (D_MODEL, N_EXPERTS), dtype=jnp.float32) * 0.02
    W1 = jax.random.normal(ks[2], (N_EXPERTS, D_MODEL, D_FF), dtype=jnp.float32) * 0.02
    b1 = jnp.zeros((N_EXPERTS, D_FF), dtype=jnp.float32)
    W2 = jax.random.normal(ks[3], (N_EXPERTS, D_FF, D_MODEL), dtype=jnp.float32) * 0.02
    b2 = jnp.zeros((N_EXPERTS, D_MODEL), dtype=jnp.float32)
    return {"x": x, "Wr": Wr, "W1": W1, "b1": b1, "W2": W2, "b2": b2}


def _moe_forward(x, Wr, W1, b1, W2, b2):
    # Router: each token is routed (top-1 / argmax, like opcode dispatch in the
    # original SparseMoEALU) to exactly one expert; only that expert's FFN runs.
    n_experts = W1.shape[0]
    logits = x @ Wr                                # [N, E]
    gates = jax.nn.softmax(logits, axis=-1)        # [N, E]
    top_g, top_i = jax.lax.top_k(gates, 1)
    assign = top_i[:, 0]                           # [N] int32: chosen expert
    gate = top_g[:, 0]                             # [N] float: gate weight
    out = jnp.zeros_like(x)
    for e in range(n_experts):
        # capacity-based dispatch: gather up to CAPACITY tokens assigned to e
        score = jnp.where(assign == e, gate, -jnp.inf)
        g_e, tok = jax.lax.top_k(score, CAPACITY)  # [C], [C]
        mask = jnp.isfinite(g_e)
        w = jnp.where(mask, g_e, 0.0)              # zero weight for overflow slots
        xe = x[tok]                                # gather  [C, D]
        h = jax.nn.relu(xe @ W1[e] + b1[e])        # expert FFN layer 1
        ye = h @ W2[e] + b2[e]                     # expert FFN layer 2
        out = out.at[tok].add(w[:, None] * ye)     # scatter-add back
    return x + out                                 # residual combine


def reference(x, Wr, W1, b1, W2, b2):
    return _moe_forward(x, Wr, W1, b1, W2, b2)

if __name__ == "__main__":
    import jax
    _d = setup_inputs()
    print(jax.jit(kernel)(*tuple(_d.values())))

</pallas_src>

<mosaic_0001>
#map = affine_map<(d0, d1) -> (0, 0)>
#map1 = affine_map<(d0, d1) -> (0)>
module attributes {stable_mosaic.version = 14 : i64} {
  func.func @sc_spread(%arg0: i32, %arg1: i32, %arg2: memref<2048x768xf32, #tpu.memory_space<hbm>>, %arg3: memref<32x64xi32, #tpu.memory_space<hbm>>, %arg4: memref<32x64xf32, #tpu.memory_space<hbm>>, %arg5: memref<4096x768xf32, #tpu.memory_space<hbm>>, %arg6: memref<4096xf32, #tpu.memory_space<hbm>>, %arg7: memref<64xi32, #tpu.memory_space<vmem>>, %arg8: memref<64x768xf32, #tpu.memory_space<vmem>>, %arg9: memref<64xf32, #tpu.memory_space<vmem>>, %arg10: memref<!tpu.dma_semaphore, #tpu.memory_space<semaphore_mem>>, %arg11: memref<!tpu.dma_semaphore, #tpu.memory_space<semaphore_mem>>) attributes {dimension_semantics = [#tpu.dimension_semantics<core_parallel>, #tpu.dimension_semantics<subcore_parallel>], iteration_bounds = array<i64: 2, 16>, scalar_prefetch = 0 : i64, scratch_operands = 5 : i64, tpu.core_type = #tpu.core_type<sc_vector_subcore>, window_params = [{transform_indices = #map}, {transform_indices = #map}, {transform_indices = #map}, {transform_indices = #map}, {transform_indices = #map1}]} {
    %mul3A = arith.constant 2 : i32
    %mul3A_0 = arith.muli %arg1, %mul3A : i32
    %add3A = arith.addi %mul3A_0, %arg0 : i32
    %mul3A_1 = arith.constant 64 : i32
    %mul3A_2 = arith.muli %add3A, %mul3A_1 : i32
    "tpu.region"() ({
      %run_scoped3A = tpu.sem_alloc : memref<!tpu.dma_semaphore, #tpu.memory_space<semaphore_mem>>
      %dma_start3A_11 = arith.constant 0 : i32
      %dma_start3A_12 = tpu.memref_slice %arg3[%add3A, %dma_start3A_11] : memref<32x64xi32, #tpu.memory_space<hbm>> -> memref<1x64xi32, #tpu.memory_space<hbm>>
      %dma_start3A_13 = tpu.memref_squeeze %dma_start3A_12 : memref<1x64xi32, #tpu.memory_space<hbm>> -> memref<64xi32, #tpu.memory_space<hbm>>
      %dma_start3A_14 = arith.constant 0 : i32
      %dma_start3A_15 = tpu.memref_slice %arg3[%add3A, %dma_start3A_14] : memref<32x64xi32, #tpu.memory_space<hbm>> -> memref<1x64xi32, #tpu.memory_space<hbm>>
      %dma_start3A_16 = tpu.memref_squeeze %dma_start3A_15 : memref<1x64xi32, #tpu.memory_space<hbm>> -> memref<64xi32, #tpu.memory_space<hbm>>
      tpu.enqueue_dma source(%dma_start3A_16 : memref<64xi32, #tpu.memory_space<hbm>>) target(%arg7 : memref<64xi32, #tpu.memory_space<vmem>>) target_semaphore(%run_scoped3A : memref<!tpu.dma_semaphore, #tpu.memory_space<semaphore_mem>>)
      %dma_wait3A_17 = arith.constant 0 : i32
      %dma_wait3A_18 = tpu.memref_slice %arg3[%add3A, %dma_wait3A_17] : memref<32x64xi32, #tpu.memory_space<hbm>> -> memref<1x64xi32, #tpu.memory_space<hbm>>
      %dma_wait3A_19 = tpu.memref_squeeze %dma_wait3A_18 : memref<1x64xi32, #tpu.memory_space<hbm>> -> memref<64xi32, #tpu.memory_space<hbm>>
      %dma_wait3A_20 = arith.constant 0 : i32
      %dma_wait3A_21 = tpu.memref_slice %arg3[%add3A, %dma_wait3A_20] : memref<32x64xi32, #tpu.memory_space<hbm>> -> memref<1x64xi32, #tpu.memory_space<hbm>>
      %dma_wait3A_22 = tpu.memref_squeeze %dma_wait3A_21 : memref<1x64xi32, #tpu.memory_space<hbm>> -> memref<64xi32, #tpu.memory_space<hbm>>
      tpu.wait_dma2 semaphore(%run_scoped3A : memref<!tpu.dma_semaphore, #tpu.memory_space<semaphore_mem>>) src(%dma_wait3A_22 : memref<64xi32, #tpu.memory_space<hbm>>) dst(%arg7 : memref<64xi32, #tpu.memory_space<vmem>>)
      tpu.yield
    }) : () -> ()
    "tpu.region"() ({
      %run_scoped3A = tpu.sem_alloc : memref<!tpu.dma_semaphore, #tpu.memory_space<semaphore_mem>>
      %dma_start3A_11 = arith.constant 0 : i32
      %dma_start3A_12 = tpu.memref_slice %arg4[%add3A, %dma_start3A_11] : memref<32x64xf32, #tpu.memory_space<hbm>> -> memref<1x64xf32, #tpu.memory_space<hbm>>
      %dma_start3A_13 = tpu.memref_squeeze %dma_start3A_12 : memref<1x64xf32, #tpu.memory_space<hbm>> -> memref<64xf32, #tpu.memory_space<hbm>>
      %dma_start3A_14 = arith.constant 0 : i32
      %dma_start3A_15 = tpu.memref_slice %arg4[%add3A, %dma_start3A_14] : memref<32x64xf32, #tpu.memory_space<hbm>> -> memref<1x64xf32, #tpu.memory_space<hbm>>
      %dma_start3A_16 = tpu.memref_squeeze %dma_start3A_15 : memref<1x64xf32, #tpu.memory_space<hbm>> -> memref<64xf32, #tpu.memory_space<hbm>>
      tpu.enqueue_dma source(%dma_start3A_16 : memref<64xf32, #tpu.memory_space<hbm>>) target(%arg9 : memref<64xf32, #tpu.memory_space<vmem>>) target_semaphore(%run_scoped3A : memref<!tpu.dma_semaphore, #tpu.memory_space<semaphore_mem>>)
      %dma_wait3A_17 = arith.constant 0 : i32
      %dma_wait3A_18 = tpu.memref_slice %arg4[%add3A, %dma_wait3A_17] : memref<32x64xf32, #tpu.memory_space<hbm>> -> memref<1x64xf32, #tpu.memory_space<hbm>>
      %dma_wait3A_19 = tpu.memref_squeeze %dma_wait3A_18 : memref<1x64xf32, #tpu.memory_space<hbm>> -> memref<64xf32, #tpu.memory_space<hbm>>
      %dma_wait3A_20 = arith.constant 0 : i32
      %dma_wait3A_21 = tpu.memref_slice %arg4[%add3A, %dma_wait3A_20] : memref<32x64xf32, #tpu.memory_space<hbm>> -> memref<1x64xf32, #tpu.memory_space<hbm>>
      %dma_wait3A_22 = tpu.memref_squeeze %dma_wait3A_21 : memref<1x64xf32, #tpu.memory_space<hbm>> -> memref<64xf32, #tpu.memory_space<hbm>>
      tpu.wait_dma2 semaphore(%run_scoped3A : memref<!tpu.dma_semaphore, #tpu.memory_space<semaphore_mem>>) src(%dma_wait3A_22 : memref<64xf32, #tpu.memory_space<hbm>>) dst(%arg9 : memref<64xf32, #tpu.memory_space<vmem>>)
      tpu.yield
    }) : () -> ()
    "tpu.region"() ({
      %run_scoped3A = tpu.sem_alloc : memref<!tpu.dma_semaphore, #tpu.memory_space<semaphore_mem>>
      %dma_start3A_11 = arith.constant 0 : i32
      %dma_start3A_12 = tpu.memref_slice %arg2[%mul3A_2, %dma_start3A_11] : memref<2048x768xf32, #tpu.memory_space<hbm>> -> memref<64x768xf32, #tpu.memory_space<hbm>>
      %dma_start3A_13 = arith.constant 0 : i32
      %dma_start3A_14 = tpu.memref_slice %arg2[%mul3A_2, %dma_start3A_13] : memref<2048x768xf32, #tpu.memory_space<hbm>> -> memref<64x768xf32, #tpu.memory_space<hbm>>
      tpu.enqueue_dma source(%dma_start3A_14 : memref<64x768xf32, #tpu.memory_space<hbm>>) target(%arg8 : memref<64x768xf32, #tpu.memory_space<vmem>>) target_semaphore(%run_scoped3A : memref<!tpu.dma_semaphore, #tpu.memory_space<semaphore_mem>>)
      %dma_wait3A_15 = arith.constant 0 : i32
      %dma_wait3A_16 = tpu.memref_slice %arg2[%mul3A_2, %dma_wait3A_15] : memref<2048x768xf32, #tpu.memory_space<hbm>> -> memref<64x768xf32, #tpu.memory_space<hbm>>
      %dma_wait3A_17 = arith.constant 0 : i32
      %dma_wait3A_18 = tpu.memref_slice %arg2[%mul3A_2, %dma_wait3A_17] : memref<2048x768xf32, #tpu.memory_space<hbm>> -> memref<64x768xf32, #tpu.memory_space<hbm>>
      tpu.wait_dma2 semaphore(%run_scoped3A : memref<!tpu.dma_semaphore, #tpu.memory_space<semaphore_mem>>) src(%dma_wait3A_18 : memref<64x768xf32, #tpu.memory_space<hbm>>) dst(%arg8 : memref<64x768xf32, #tpu.memory_space<vmem>>)
      tpu.yield
    }) : () -> ()
    %dma_start3A = arith.constant 0 : i32
    %dma_start3A_3 = tpu.memref_slice %arg6[%dma_start3A] : memref<4096xf32, #tpu.memory_space<hbm>> -> memref<4096xf32, #tpu.memory_space<hbm>>
    tpu.enqueue_indirect_dma source(%arg9 : memref<64xf32, #tpu.memory_space<vmem>>) target(%dma_start3A_3 : memref<4096xf32, #tpu.memory_space<hbm>>) offsets(%arg7 : memref<64xi32, #tpu.memory_space<vmem>>) semaphore(%arg11 : memref<!tpu.dma_semaphore, #tpu.memory_space<semaphore_mem>>)
    %dma_start3A_4 = arith.constant 0 : i32
    %dma_start3A_5 = arith.constant 0 : i32
    %dma_start3A_6 = tpu.memref_slice %arg5[%dma_start3A_4, %dma_start3A_5] : memref<4096x768xf32, #tpu.memory_space<hbm>> -> memref<4096x768xf32, #tpu.memory_space<hbm>>
    tpu.enqueue_indirect_dma source(%arg8 : memref<64x768xf32, #tpu.memory_space<vmem>>) target(%dma_start3A_6 : memref<4096x768xf32, #tpu.memory_space<hbm>>) offsets(%arg7 : memref<64xi32, #tpu.memory_space<vmem>>) semaphore(%arg10 : memref<!tpu.dma_semaphore, #tpu.memory_space<semaphore_mem>>)
    %dma_wait3A = arith.constant 0 : i32
    %dma_wait3A_7 = arith.constant 0 : i32
    %dma_wait3A_8 = tpu.memref_slice %arg5[%dma_wait3A, %dma_wait3A_7] : memref<4096x768xf32, #tpu.memory_space<hbm>> -> memref<4096x768xf32, #tpu.memory_space<hbm>>
    tpu.wait_indirect_dma semaphore(%arg10 : memref<!tpu.dma_semaphore, #tpu.memory_space<semaphore_mem>>) src(%arg8 : memref<64x768xf32, #tpu.memory_space<vmem>>) dst(%dma_wait3A_8 : memref<4096x768xf32, #tpu.memory_space<hbm>>)
    %dma_wait3A_9 = arith.constant 0 : i32
    %dma_wait3A_10 = tpu.memref_slice %arg6[%dma_wait3A_9] : memref<4096xf32, #tpu.memory_space<hbm>> -> memref<4096xf32, #tpu.memory_space<hbm>>
    tpu.wait_indirect_dma semaphore(%arg11 : memref<!tpu.dma_semaphore, #tpu.memory_space<semaphore_mem>>) src(%arg9 : memref<64xf32, #tpu.memory_space<vmem>>) dst(%dma_wait3A_10 : memref<4096xf32, #tpu.memory_space<hbm>>)
    return
  }
}

#map = affine_map<(d0, d1) -> (0, 0)>
module attributes {stable_mosaic.version = 14 : i64} {
  func.func @sc_collect(%arg0: i32, %arg1: i32, %arg2: memref<4096x768xf32, #tpu.memory_space<hbm>>, %arg3: memref<32x64xi32, #tpu.memory_space<hbm>>, %arg4: memref<2048x768xf32, #tpu.memory_space<hbm>>, %arg5: memref<64xi32, #tpu.memory_space<vmem>>, %arg6: memref<64x768xf32, #tpu.memory_space<vmem>>, %arg7: memref<!tpu.dma_semaphore, #tpu.memory_space<semaphore_mem>>) attributes {dimension_semantics = [#tpu.dimension_semantics<core_parallel>, #tpu.dimension_semantics<subcore_parallel>], iteration_bounds = array<i64: 2, 16>, scalar_prefetch = 0 : i64, scratch_operands = 3 : i64, tpu.core_type = #tpu.core_type<sc_vector_subcore>, window_params = [{transform_indices = #map}, {transform_indices = #map}, {transform_indices = #map}]} {
    %mul3A = arith.constant 2 : i32
    %mul3A_0 = arith.muli %arg1, %mul3A : i32
    %add3A = arith.addi %mul3A_0, %arg0 : i32
    %mul3A_1 = arith.constant 64 : i32
    %mul3A_2 = arith.muli %add3A, %mul3A_1 : i32
    "tpu.region"() ({
      %run_scoped3A = tpu.sem_alloc : memref<!tpu.dma_semaphore, #tpu.memory_space<semaphore_mem>>
      %dma_start3A_7 = arith.constant 0 : i32
      %dma_start3A_8 = tpu.memref_slice %arg3[%add3A, %dma_start3A_7] : memref<32x64xi32, #tpu.memory_space<hbm>> -> memref<1x64xi32, #tpu.memory_space<hbm>>
      %dma_start3A_9 = tpu.memref_squeeze %dma_start3A_8 : memref<1x64xi32, #tpu.memory_space<hbm>> -> memref<64xi32, #tpu.memory_space<hbm>>
      %dma_start3A_10 = arith.constant 0 : i32
      %dma_start3A_11 = tpu.memref_slice %arg3[%add3A, %dma_start3A_10] : memref<32x64xi32, #tpu.memory_space<hbm>> -> memref<1x64xi32, #tpu.memory_space<hbm>>
      %dma_start3A_12 = tpu.memref_squeeze %dma_start3A_11 : memref<1x64xi32, #tpu.memory_space<hbm>> -> memref<64xi32, #tpu.memory_space<hbm>>
      tpu.enqueue_dma source(%dma_start3A_12 : memref<64xi32, #tpu.memory_space<hbm>>) target(%arg5 : memref<64xi32, #tpu.memory_space<vmem>>) target_semaphore(%run_scoped3A : memref<!tpu.dma_semaphore, #tpu.memory_space<semaphore_mem>>)
      %dma_wait3A_13 = arith.constant 0 : i32
      %dma_wait3A_14 = tpu.memref_slice %arg3[%add3A, %dma_wait3A_13] : memref<32x64xi32, #tpu.memory_space<hbm>> -> memref<1x64xi32, #tpu.memory_space<hbm>>
      %dma_wait3A_15 = tpu.memref_squeeze %dma_wait3A_14 : memref<1x64xi32, #tpu.memory_space<hbm>> -> memref<64xi32, #tpu.memory_space<hbm>>
      %dma_wait3A_16 = arith.constant 0 : i32
      %dma_wait3A_17 = tpu.memref_slice %arg3[%add3A, %dma_wait3A_16] : memref<32x64xi32, #tpu.memory_space<hbm>> -> memref<1x64xi32, #tpu.memory_space<hbm>>
      %dma_wait3A_18 = tpu.memref_squeeze %dma_wait3A_17 : memref<1x64xi32, #tpu.memory_space<hbm>> -> memref<64xi32, #tpu.memory_space<hbm>>
      tpu.wait_dma2 semaphore(%run_scoped3A : memref<!tpu.dma_semaphore, #tpu.memory_space<semaphore_mem>>) src(%dma_wait3A_18 : memref<64xi32, #tpu.memory_space<hbm>>) dst(%arg5 : memref<64xi32, #tpu.memory_space<vmem>>)
      tpu.yield
    }) : () -> ()
    %dma_start3A = arith.constant 0 : i32
    %dma_start3A_3 = arith.constant 0 : i32
    %dma_start3A_4 = tpu.memref_slice %arg2[%dma_start3A, %dma_start3A_3] : memref<4096x768xf32, #tpu.memory_space<hbm>> -> memref<4096x768xf32, #tpu.memory_space<hbm>>
    tpu.enqueue_indirect_dma source(%dma_start3A_4 : memref<4096x768xf32, #tpu.memory_space<hbm>>) target(%arg6 : memref<64x768xf32, #tpu.memory_space<vmem>>) offsets(%arg5 : memref<64xi32, #tpu.memory_space<vmem>>) semaphore(%arg7 : memref<!tpu.dma_semaphore, #tpu.memory_space<semaphore_mem>>)
    %dma_wait3A = arith.constant 0 : i32
    %dma_wait3A_5 = arith.constant 0 : i32
    %dma_wait3A_6 = tpu.memref_slice %arg2[%dma_wait3A, %dma_wait3A_5] : memref<4096x768xf32, #tpu.memory_space<hbm>> -> memref<4096x768xf32, #tpu.memory_space<hbm>>
    tpu.wait_indirect_dma semaphore(%arg7 : memref<!tpu.dma_semaphore, #tpu.memory_space<semaphore_mem>>) src(%dma_wait3A_6 : memref<4096x768xf32, #tpu.memory_space<hbm>>) dst(%arg6 : memref<64x768xf32, #tpu.memory_space<vmem>>)
    "tpu.region"() ({
      %run_scoped3A = tpu.sem_alloc : memref<!tpu.dma_semaphore, #tpu.memory_space<semaphore_mem>>
      %dma_start3A_7 = arith.constant 0 : i32
      %dma_start3A_8 = tpu.memref_slice %arg4[%mul3A_2, %dma_start3A_7] : memref<2048x768xf32, #tpu.memory_space<hbm>> -> memref<64x768xf32, #tpu.memory_space<hbm>>
      %dma_start3A_9 = arith.constant 0 : i32
      %dma_start3A_10 = tpu.memref_slice %arg4[%mul3A_2, %dma_start3A_9] : memref<2048x768xf32, #tpu.memory_space<hbm>> -> memref<64x768xf32, #tpu.memory_space<hbm>>
      tpu.enqueue_dma source(%arg6 : memref<64x768xf32, #tpu.memory_space<vmem>>) target(%dma_start3A_10 : memref<64x768xf32, #tpu.memory_space<hbm>>) target_semaphore(%run_scoped3A : memref<!tpu.dma_semaphore, #tpu.memory_space<semaphore_mem>>)
      %dma_wait3A_11 = arith.constant 0 : i32
      %dma_wait3A_12 = tpu.memref_slice %arg4[%mul3A_2, %dma_wait3A_11] : memref<2048x768xf32, #tpu.memory_space<hbm>> -> memref<64x768xf32, #tpu.memory_space<hbm>>
      %dma_wait3A_13 = arith.constant 0 : i32
      %dma_wait3A_14 = tpu.memref_slice %arg4[%mul3A_2, %dma_wait3A_13] : memref<2048x768xf32, #tpu.memory_space<hbm>> -> memref<64x768xf32, #tpu.memory_space<hbm>>
      tpu.wait_dma2 semaphore(%run_scoped3A : memref<!tpu.dma_semaphore, #tpu.memory_space<semaphore_mem>>) src(%arg6 : memref<64x768xf32, #tpu.memory_space<vmem>>) dst(%dma_wait3A_14 : memref<64x768xf32, #tpu.memory_space<hbm>>)
      tpu.yield
    }) : () -> ()
    return
  }
}

module attributes {stable_mosaic.version = 14 : i64} {
  func.func @_dispatch_body(%arg0: memref<2048x768xf32, #tpu.memory_space<vmem>>, %arg1: memref<768x64xf32, #tpu.memory_space<vmem>>, %arg2: memref<1x2048xi32, #tpu.memory_space<vmem>>, %arg3: memref<1x2048xf32, #tpu.memory_space<vmem>>) attributes {dimension_semantics = [], scalar_prefetch = 0 : i64, scratch_operands = 0 : i64, tpu.core_type = #tpu.core_type<tc>} {
    %get3A = arith.constant 0 : index
    %get3A_0 = arith.constant 0 : index
    %get3A_1 = vector.load %arg0[%get3A, %get3A_0] : memref<2048x768xf32, #tpu.memory_space<vmem>>, vector<2048x768xf32>
    %get3A_2 = arith.constant 0 : index
    %get3A_3 = arith.constant 0 : index
    %get3A_4 = vector.load %arg1[%get3A_2, %get3A_3] : memref<768x64xf32, #tpu.memory_space<vmem>>, vector<768x64xf32>
    %dot_general3A = arith.constant dense<0.000000e+00> : vector<2048x64xf32>
    %dot_general3A_5 = tpu.matmul %get3A_1, %get3A_4, %dot_general3A {dimension_numbers = #tpu.dot_dimension_numbers<[1], [0], [0], [1], [0, 0, 1, 1], [], []>, transpose_lhs_hint = false} : vector<2048x768xf32>, vector<768x64xf32>, vector<2048x64xf32> -> vector<2048x64xf32>
    %reduce_max3A = arith.constant dense<0xFF800000> : vector<2048xf32>
    %reduce_max3A_6 = vector.multi_reduction <maximumf>, %dot_general3A_5, %reduce_max3A [1] : vector<2048x64xf32> to vector<2048xf32>
    %broadcast_in_dim3A = vector.shape_cast %reduce_max3A_6 : vector<2048xf32> to vector<2048x1xf32>
    %sub3A = vector.broadcast %broadcast_in_dim3A : vector<2048x1xf32> to vector<2048x64xf32>
    %sub3A_7 = arith.subf %dot_general3A_5, %sub3A : vector<2048x64xf32>
    %exp3A = math.exp %sub3A_7 : vector<2048x64xf32>
    %reduce_sum3A = arith.constant dense<0.000000e+00> : vector<2048xf32>
    %reduce_sum3A_8 = vector.multi_reduction <add>, %exp3A, %reduce_sum3A [1] : vector<2048x64xf32> to vector<2048xf32>
    %broadcast_in_dim3A_9 = vector.shape_cast %reduce_sum3A_8 : vector<2048xf32> to vector<2048x1xf32>
    %div3A = vector.broadcast %broadcast_in_dim3A_9 : vector<2048x1xf32> to vector<2048x64xf32>
    %div3A_10 = arith.divf %exp3A, %div3A : vector<2048x64xf32>
    %reduce_max3A_11 = arith.constant dense<0xFF800000> : vector<2048xf32>
    %reduce_max3A_12 = vector.multi_reduction <maximumf>, %div3A_10, %reduce_max3A_11 [1] : vector<2048x64xf32> to vector<2048xf32>
    %broadcast_in_dim3A_13 = vector.shape_cast %reduce_max3A_12 : vector<2048xf32> to vector<2048x1xf32>
    %iota3A = tpu.iota {dimensions = array<i32: 1>} : vector<2048x64xi32>
    %convert_element_type3A = arith.sitofp %iota3A : vector<2048x64xi32> to vector<2048x64xf32>
    %eq3A = vector.broadcast %broadcast_in_dim3A_13 : vector<2048x1xf32> to vector<2048x64xf32>
    %eq3A_14 = arith.cmpf oeq, %div3A_10, %eq3A : vector<2048x64xf32>
    %jit3A = arith.constant 6.400000e+01 : f32
    %broadcast_in_dim3A_15 = vector.broadcast %jit3A : f32 to vector<2048x64xf32>
    %select_n3A = arith.select %eq3A_14, %convert_element_type3A, %broadcast_in_dim3A_15 : vector<2048x64xi1>, vector<2048x64xf32>
    %reduce_min3A = arith.constant dense<0x7F800000> : vector<2048xf32>
    %reduce_min3A_16 = vector.multi_reduction <minimumf>, %select_n3A, %reduce_min3A [1] : vector<2048x64xf32> to vector<2048xf32>
    %broadcast_in_dim3A_17 = vector.shape_cast %reduce_min3A_16 : vector<2048xf32> to vector<2048x1xf32>
    %iota3A_18 = tpu.iota {dimensions = array<i32: 0>} : vector<2048x256xi32>
    %iota3A_19 = tpu.iota {dimensions = array<i32: 1>} : vector<2048x256xi32>
    %add3A = arith.constant 0 : i32
    %add3A_20 = vector.broadcast %add3A : i32 to vector<2048x256xi32>
    %add3A_21 = arith.addi %iota3A_19, %add3A_20 : vector<2048x256xi32>
    %eq3A_22 = arith.cmpi eq, %iota3A_18, %add3A_21 : vector<2048x256xi32>
    %jit3A_23 = arith.constant 0.000000e+00 : f32
    %broadcast_in_dim3A_24 = vector.shape_cast %broadcast_in_dim3A_13 : vector<2048x1xf32> to vector<2048x1xf32>
    %broadcast_in_dim3A_25 = vector.broadcast %broadcast_in_dim3A_24 : vector<2048x1xf32> to vector<2048x256xf32>
    %broadcast_in_dim3A_26 = vector.broadcast %jit3A_23 : f32 to vector<2048x256xf32>
    %select_n3A_27 = arith.select %eq3A_22, %broadcast_in_dim3A_25, %broadcast_in_dim3A_26 : vector<2048x256xi1>, vector<2048x256xf32>
    %reduce_sum3A_28 = arith.constant dense<0.000000e+00> : vector<256xf32>
    %reduce_sum3A_29 = vector.multi_reduction <add>, %select_n3A_27, %reduce_sum3A_28 [0] : vector<2048x256xf32> to vector<256xf32>
    %broadcast_in_dim3A_30 = vector.shape_cast %reduce_sum3A_29 : vector<256xf32> to vector<1x256xf32>
    %iota3A_31 = tpu.iota {dimensions = array<i32: 0>} : vector<2048x256xi32>
    %iota3A_32 = tpu.iota {dimensions = array<i32: 1>} : vector<2048x256xi32>
    %add3A_33 = arith.constant 256 : i32
    %add3A_34 = vector.broadcast %add3A_33 : i32 to vector<2048x256xi32>
    %add3A_35 = arith.addi %iota3A_32, %add3A_34 : vector<2048x256xi32>
    %eq3A_36 = arith.cmpi eq, %iota3A_31, %add3A_35 : vector<2048x256xi32>
    %jit3A_37 = arith.constant 0.000000e+00 : f32
    %broadcast_in_dim3A_38 = vector.shape_cast %broadcast_in_dim3A_13 : vector<2048x1xf32> to vector<2048x1xf32>
    %broadcast_in_dim3A_39 = vector.broadcast %broadcast_in_dim3A_38 : vector<2048x1xf32> to vector<2048x256xf32>
    %broadcast_in_dim3A_40 = vector.broadcast %jit3A_37 : f32 to vector<2048x256xf32>
    %select_n3A_41 = arith.select %eq3A_36, %broadcast_in_dim3A_39, %broadcast_in_dim3A_40 : vector<2048x256xi1>, vector<2048x256xf32>
    %reduce_sum3A_42 = arith.constant dense<0.000000e+00> : vector<256xf32>
    %reduce_sum3A_43 = vector.multi_reduction <add>, %select_n3A_41, %reduce_sum3A_42 [0] : vector<2048x256xf32> to vector<256xf32>
    %broadcast_in_dim3A_44 = vector.shape_cast %reduce_sum3A_43 : vector<256xf32> to vector<1x256xf32>
    %iota3A_45 = tpu.iota {dimensions = array<i32: 0>} : vector<2048x256xi32>
    %iota3A_46 = tpu.iota {dimensions = array<i32: 1>} : vector<2048x256xi32>
    %add3A_47 = arith.constant 512 : i32
    %add3A_48 = vector.broadcast %add3A_47 : i32 to vector<2048x256xi32>
    %add3A_49 = arith.addi %iota3A_46, %add3A_48 : vector<2048x256xi32>
    %eq3A_50 = arith.cmpi eq, %iota3A_45, %add3A_49 : vector<2048x256xi32>
    %jit3A_51 = arith.constant 0.000000e+00 : f32
    %broadcast_in_dim3A_52 = vector.shape_cast %broadcast_in_dim3A_13 : vector<2048x1xf32> to vector<2048x1xf32>
    %broadcast_in_dim3A_53 = vector.broadcast %broadcast_in_dim3A_52 : vector<2048x1xf32> to vector<2048x256xf32>
    %broadcast_in_dim3A_54 = vector.broadcast %jit3A_51 : f32 to vector<2048x256xf32>
    %select_n3A_55 = arith.select %eq3A_50, %broadcast_in_dim3A_53, %broadcast_in_dim3A_54 : vector<2048x256xi1>, vector<2048x256xf32>
    %reduce_sum3A_56 = arith.constant dense<0.000000e+00> : vector<256xf32>
    %reduce_sum3A_57 = vector.multi_reduction <add>, %select_n3A_55, %reduce_sum3A_56 [0] : vector<2048x256xf32> to vector<256xf32>
    %broadcast_in_dim3A_58 = vector.shape_cast %reduce_sum3A_57 : vector<256xf32> to vector<1x256xf32>
    %iota3A_59 = tpu.iota {dimensions = array<i32: 0>} : vector<2048x256xi32>
    %iota3A_60 = tpu.iota {dimensions = array<i32: 1>} : vector<2048x256xi32>
    %add3A_61 = arith.constant 768 : i32
    %add3A_62 = vector.broadcast %add3A_61 : i32 to vector<2048x256xi32>
    %add3A_63 = arith.addi %iota3A_60, %add3A_62 : vector<2048x256xi32>
    %eq3A_64 = arith.cmpi eq, %iota3A_59, %add3A_63 : vector<2048x256xi32>
    %jit3A_65 = arith.constant 0.000000e+00 : f32
    %broadcast_in_dim3A_66 = vector.shape_cast %broadcast_in_dim3A_13 : vector<2048x1xf32> to vector<2048x1xf32>
    %broadcast_in_dim3A_67 = vector.broadcast %broadcast_in_dim3A_66 : vector<2048x1xf32> to vector<2048x256xf32>
    %broadcast_in_dim3A_68 = vector.broadcast %jit3A_65 : f32 to vector<2048x256xf32>
    %select_n3A_69 = arith.select %eq3A_64, %broadcast_in_dim3A_67, %broadcast_in_dim3A_68 : vector<2048x256xi1>, vector<2048x256xf32>
    %reduce_sum3A_70 = arith.constant dense<0.000000e+00> : vector<256xf32>
    %reduce_sum3A_71 = vector.multi_reduction <add>, %select_n3A_69, %reduce_sum3A_70 [0] : vector<2048x256xf32> to vector<256xf32>
    %broadcast_in_dim3A_72 = vector.shape_cast %reduce_sum3A_71 : vector<256xf32> to vector<1x256xf32>
    %iota3A_73 = tpu.iota {dimensions = array<i32: 0>} : vector<2048x256xi32>
    %iota3A_74 = tpu.iota {dimensions = array<i32: 1>} : vector<2048x256xi32>
    %add3A_75 = arith.constant 1024 : i32
    %add3A_76 = vector.broadcast %add3A_75 : i32 to vector<2048x256xi32>
    %add3A_77 = arith.addi %iota3A_74, %add3A_76 : vector<2048x256xi32>
    %eq3A_78 = arith.cmpi eq, %iota3A_73, %add3A_77 : vector<2048x256xi32>
    %jit3A_79 = arith.constant 0.000000e+00 : f32
    %broadcast_in_dim3A_80 = vector.shape_cast %broadcast_in_dim3A_13 : vector<2048x1xf32> to vector<2048x1xf32>
    %broadcast_in_dim3A_81 = vector.broadcast %broadcast_in_dim3A_80 : vector<2048x1xf32> to vector<2048x256xf32>
    %broadcast_in_dim3A_82 = vector.broadcast %jit3A_79 : f32 to vector<2048x256xf32>
    %select_n3A_83 = arith.select %eq3A_78, %broadcast_in_dim3A_81, %broadcast_in_dim3A_82 : vector<2048x256xi1>, vector<2048x256xf32>
    %reduce_sum3A_84 = arith.constant dense<0.000000e+00> : vector<256xf32>
    %reduce_sum3A_85 = vector.multi_reduction <add>, %select_n3A_83, %reduce_sum3A_84 [0] : vector<2048x256xf32> to vector<256xf32>
    %broadcast_in_dim3A_86 = vector.shape_cast %reduce_sum3A_85 : vector<256xf32> to vector<1x256xf32>
    %iota3A_87 = tpu.iota {dimensions = array<i32: 0>} : vector<2048x256xi32>
    %iota3A_88 = tpu.iota {dimensions = array<i32: 1>} : vector<2048x256xi32>
    %add3A_89 = arith.constant 1280 : i32
    %add3A_90 = vector.broadcast %add3A_89 : i32 to vector<2048x256xi32>
    %add3A_91 = arith.addi %iota3A_88, %add3A_90 : vector<2048x256xi32>
    %eq3A_92 = arith.cmpi eq, %iota3A_87, %add3A_91 : vector<2048x256xi32>
    %jit3A_93 = arith.constant 0.000000e+00 : f32
    %broadcast_in_dim3A_94 = vector.shape_cast %broadcast_in_dim3A_13 : vector<2048x1xf32> to vector<2048x1xf32>
    %broadcast_in_dim3A_95 = vector.broadcast %broadcast_in_dim3A_94 : vector<2048x1xf32> to vector<2048x256xf32>
    %broadcast_in_dim3A_96 = vector.broadcast %jit3A_93 : f32 to vector<2048x256xf32>
    %select_n3A_97 = arith.select %eq3A_92, %broadcast_in_dim3A_95, %broadcast_in_dim3A_96 : vector<2048x256xi1>, vector<2048x256xf32>
    %reduce_sum3A_98 = arith.constant dense<0.000000e+00> : vector<256xf32>
    %reduce_sum3A_99 = vector.multi_reduction <add>, %select_n3A_97, %reduce_sum3A_98 [0] : vector<2048x256xf32> to vector<256xf32>
    %broadcast_in_dim3A_100 = vector.shape_cast %reduce_sum3A_99 : vector<256xf32> to vector<1x256xf32>
    %iota3A_101 = tpu.iota {dimensions = array<i32: 0>} : vector<2048x256xi32>
    %iota3A_102 = tpu.iota {dimensions = array<i32: 1>} : vector<2048x256xi32>
    %add3A_103 = arith.constant 1536 : i32
    %add3A_104 = vector.broadcast %add3A_103 : i32 to vector<2048x256xi32>
    %add3A_105 = arith.addi %iota3A_102, %add3A_104 : vector<2048x256xi32>
    %eq3A_106 = arith.cmpi eq, %iota3A_101, %add3A_105 : vector<2048x256xi32>
    %jit3A_107 = arith.constant 0.000000e+00 : f32
    %broadcast_in_dim3A_108 = vector.shape_cast %broadcast_in_dim3A_13 : vector<2048x1xf32> to vector<2048x1xf32>
    %broadcast_in_dim3A_109 = vector.broadcast %broadcast_in_dim3A_108 : vector<2048x1xf32> to vector<2048x256xf32>
    %broadcast_in_dim3A_110 = vector.broadcast %jit3A_107 : f32 to vector<2048x256xf32>
    %select_n3A_111 = arith.select %eq3A_106, %broadcast_in_dim3A_109, %broadcast_in_dim3A_110 : vector<2048x256xi1>, vector<2048x256xf32>
    %reduce_sum3A_112 = arith.constant dense<0.000000e+00> : vector<256xf32>
    %reduce_sum3A_113 = vector.multi_reduction <add>, %select_n3A_111, %reduce_sum3A_112 [0] : vector<2048x256xf32> to vector<256xf32>
    %broadcast_in_dim3A_114 = vector.shape_cast %reduce_sum3A_113 : vector<256xf32> to vector<1x256xf32>
    %iota3A_115 = tpu.iota {dimensions = array<i32: 0>} : vector<2048x256xi32>
    %iota3A_116 = tpu.iota {dimensions = array<i32: 1>} : vector<2048x256xi32>
    %add3A_117 = arith.constant 1792 : i32
    %add3A_118 = vector.broadcast %add3A_117 : i32 to vector<2048x256xi32>
    %add3A_119 = arith.addi %iota3A_116, %add3A_118 : vector<2048x256xi32>
    %eq3A_120 = arith.cmpi eq, %iota3A_115, %add3A_119 : vector<2048x256xi32>
    %jit3A_121 = arith.constant 0.000000e+00 : f32
    %broadcast_in_dim3A_122 = vector.shape_cast %broadcast_in_dim3A_13 : vector<2048x1xf32> to vector<2048x1xf32>
    %broadcast_in_dim3A_123 = vector.broadcast %broadcast_in_dim3A_122 : vector<2048x1xf32> to vector<2048x256xf32>
    %broadcast_in_dim3A_124 = vector.broadcast %jit3A_121 : f32 to vector<2048x256xf32>
    %select_n3A_125 = arith.select %eq3A_120, %broadcast_in_dim3A_123, %broadcast_in_dim3A_124 : vector<2048x256xi1>, vector<2048x256xf32>
    %reduce_sum3A_126 = arith.constant dense<0.000000e+00> : vector<256xf32>
    %reduce_sum3A_127 = vector.multi_reduction <add>, %select_n3A_125, %reduce_sum3A_126 [0] : vector<2048x256xf32> to vector<256xf32>
    %broadcast_in_dim3A_128 = vector.shape_cast %reduce_sum3A_127 : vector<256xf32> to vector<1x256xf32>
    %concatenate3A = tpu.concatenate %broadcast_in_dim3A_30, %broadcast_in_dim3A_44, %broadcast_in_dim3A_58, %broadcast_in_dim3A_72, %broadcast_in_dim3A_86, %broadcast_in_dim3A_100, %broadcast_in_dim3A_114, %broadcast_in_dim3A_128 in 1 : vector<1x256xf32>, vector<1x256xf32>, vector<1x256xf32>, vector<1x256xf32>, vector<1x256xf32>, vector<1x256xf32>, vector<1x256xf32>, vector<1x256xf32> -> vector<1x2048xf32>
    %iota3A_129 = tpu.iota {dimensions = array<i32: 0>} : vector<2048x256xi32>
    %iota3A_130 = tpu.iota {dimensions = array<i32: 1>} : vector<2048x256xi32>
    %add3A_131 = arith.constant 0 : i32
    %add3A_132 = vector.broadcast %add3A_131 : i32 to vector<2048x256xi32>
    %add3A_133 = arith.addi %iota3A_130, %add3A_132 : vector<2048x256xi32>
    %eq3A_134 = arith.cmpi eq, %iota3A_129, %add3A_133 : vector<2048x256xi32>
    %jit3A_135 = arith.constant 0.000000e+00 : f32
    %broadcast_in_dim3A_136 = vector.shape_cast %broadcast_in_dim3A_17 : vector<2048x1xf32> to vector<2048x1xf32>
    %broadcast_in_dim3A_137 = vector.broadcast %broadcast_in_dim3A_136 : vector<2048x1xf32> to vector<2048x256xf32>
    %broadcast_in_dim3A_138 = vector.broadcast %jit3A_135 : f32 to vector<2048x256xf32>
    %select_n3A_139 = arith.select %eq3A_134, %broadcast_in_dim3A_137, %broadcast_in_dim3A_138 : vector<2048x256xi1>, vector<2048x256xf32>
    %reduce_sum3A_140 = arith.constant dense<0.000000e+00> : vector<256xf32>
    %reduce_sum3A_141 = vector.multi_reduction <add>, %select_n3A_139, %reduce_sum3A_140 [0] : vector<2048x256xf32> to vector<256xf32>
    %broadcast_in_dim3A_142 = vector.shape_cast %reduce_sum3A_141 : vector<256xf32> to vector<1x256xf32>
    %iota3A_143 = tpu.iota {dimensions = array<i32: 0>} : vector<2048x256xi32>
    %iota3A_144 = tpu.iota {dimensions = array<i32: 1>} : vector<2048x256xi32>
    %add3A_145 = arith.constant 256 : i32
    %add3A_146 = vector.broadcast %add3A_145 : i32 to vector<2048x256xi32>
    %add3A_147 = arith.addi %iota3A_144, %add3A_146 : vector<2048x256xi32>
    %eq3A_148 = arith.cmpi eq, %iota3A_143, %add3A_147 : vector<2048x256xi32>
    %jit3A_149 = arith.constant 0.000000e+00 : f32
    %broadcast_in_dim3A_150 = vector.shape_cast %broadcast_in_dim3A_17 : vector<2048x1xf32> to vector<2048x1xf32>
    %broadcast_in_dim3A_151 = vector.broadcast %broadcast_in_dim3A_150 : vector<2048x1xf32> to vector<2048x256xf32>
    %broadcast_in_dim3A_152 = vector.broadcast %jit3A_149 : f32 to vector<2048x256xf32>
    %select_n3A_153 = arith.select %eq3A_148, %broadcast_in_dim3A_151, %broadcast_in_dim3A_152 : vector<2048x256xi1>, vector<2048x256xf32>
    %reduce_sum3A_154 = arith.constant dense<0.000000e+00> : vector<256xf32>
    %reduce_sum3A_155 = vector.multi_reduction <add>, %select_n3A_153, %reduce_sum3A_154 [0] : vector<2048x256xf32> to vector<256xf32>
    %broadcast_in_dim3A_156 = vector.shape_cast %reduce_sum3A_155 : vector<256xf32> to vector<1x256xf32>
    %iota3A_157 = tpu.iota {dimensions = array<i32: 0>} : vector<2048x256xi32>
    %iota3A_158 = tpu.iota {dimensions = array<i32: 1>} : vector<2048x256xi32>
    %add3A_159 = arith.constant 512 : i32
    %add3A_160 = vector.broadcast %add3A_159 : i32 to vector<2048x256xi32>
    %add3A_161 = arith.addi %iota3A_158, %add3A_160 : vector<2048x256xi32>
    %eq3A_162 = arith.cmpi eq, %iota3A_157, %add3A_161 : vector<2048x256xi32>
    %jit3A_163 = arith.constant 0.000000e+00 : f32
    %broadcast_in_dim3A_164 = vector.shape_cast %broadcast_in_dim3A_17 : vector<2048x1xf32> to vector<2048x1xf32>
    %broadcast_in_dim3A_165 = vector.broadcast %broadcast_in_dim3A_164 : vector<2048x1xf32> to vector<2048x256xf32>
    %broadcast_in_dim3A_166 = vector.broadcast %jit3A_163 : f32 to vector<2048x256xf32>
    %select_n3A_167 = arith.select %eq3A_162, %broadcast_in_dim3A_165, %broadcast_in_dim3A_166 : vector<2048x256xi1>, vector<2048x256xf32>
    %reduce_sum3A_168 = arith.constant dense<0.000000e+00> : vector<256xf32>
    %reduce_sum3A_169 = vector.multi_reduction <add>, %select_n3A_167, %reduce_sum3A_168 [0] : vector<2048x256xf32> to vector<256xf32>
    %broadcast_in_dim3A_170 = vector.shape_cast %reduce_sum3A_169 : vector<256xf32> to vector<1x256xf32>
    %iota3A_171 = tpu.iota {dimensions = array<i32: 0>} : vector<2048x256xi32>
    %iota3A_172 = tpu.iota {dimensions = array<i32: 1>} : vector<2048x256xi32>
    %add3A_173 = arith.constant 768 : i32
    %add3A_174 = vector.broadcast %add3A_173 : i32 to vector<2048x256xi32>
    %add3A_175 = arith.addi %iota3A_172, %add3A_174 : vector<2048x256xi32>
    %eq3A_176 = arith.cmpi eq, %iota3A_171, %add3A_175 : vector<2048x256xi32>
    %jit3A_177 = arith.constant 0.000000e+00 : f32
    %broadcast_in_dim3A_178 = vector.shape_cast %broadcast_in_dim3A_17 : vector<2048x1xf32> to vector<2048x1xf32>
    %broadcast_in_dim3A_179 = vector.broadcast %broadcast_in_dim3A_178 : vector<2048x1xf32> to vector<2048x256xf32>
    %broadcast_in_dim3A_180 = vector.broadcast %jit3A_177 : f32 to vector<2048x256xf32>
    %select_n3A_181 = arith.select %eq3A_176, %broadcast_in_dim3A_179, %broadcast_in_dim3A_180 : vector<2048x256xi1>, vector<2048x256xf32>
    %reduce_sum3A_182 = arith.constant dense<0.000000e+00> : vector<256xf32>
    %reduce_sum3A_183 = vector.multi_reduction <add>, %select_n3A_181, %reduce_sum3A_182 [0] : vector<2048x256xf32> to vector<256xf32>
    %broadcast_in_dim3A_184 = vector.shape_cast %reduce_sum3A_183 : vector<256xf32> to vector<1x256xf32>
    %iota3A_185 = tpu.iota {dimensions = array<i32: 0>} : vector<2048x256xi32>
    %iota3A_186 = tpu.iota {dimensions = array<i32: 1>} : vector<2048x256xi32>
    %add3A_187 = arith.constant 1024 : i32
    %add3A_188 = vector.broadcast %add3A_187 : i32 to vector<2048x256xi32>
    %add3A_189 = arith.addi %iota3A_186, %add3A_188 : vector<2048x256xi32>
    %eq3A_190 = arith.cmpi eq, %iota3A_185, %add3A_189 : vector<2048x256xi32>
    %jit3A_191 = arith.constant 0.000000e+00 : f32
    %broadcast_in_dim3A_192 = vector.shape_cast %broadcast_in_dim3A_17 : vector<2048x1xf32> to vector<2048x1xf32>
    %broadcast_in_dim3A_193 = vector.broadcast %broadcast_in_dim3A_192 : vector<2048x1xf32> to vector<2048x256xf32>
    %broadcast_in_dim3A_194 = vector.broadcast %jit3A_191 : f32 to vector<2048x256xf32>
    %select_n3A_195 = arith.select %eq3A_190, %broadcast_in_dim3A_193, %broadcast_in_dim3A_194 : vector<2048x256xi1>, vector<2048x256xf32>
    %reduce_sum3A_196 = arith.constant dense<0.000000e+00> : vector<256xf32>
    %reduce_sum3A_197 = vector.multi_reduction <add>, %select_n3A_195, %reduce_sum3A_196 [0] : vector<2048x256xf32> to vector<256xf32>
    %broadcast_in_dim3A_198 = vector.shape_cast %reduce_sum3A_197 : vector<256xf32> to vector<1x256xf32>
    %iota3A_199 = tpu.iota {dimensions = array<i32: 0>} : vector<2048x256xi32>
    %iota3A_200 = tpu.iota {dimensions = array<i32: 1>} : vector<2048x256xi32>
    %add3A_201 = arith.constant 1280 : i32
    %add3A_202 = vector.broadcast %add3A_201 : i32 to vector<2048x256xi32>
    %add3A_203 = arith.addi %iota3A_200, %add3A_202 : vector<2048x256xi32>
    %eq3A_204 = arith.cmpi eq, %iota3A_199, %add3A_203 : vector<2048x256xi32>
    %jit3A_205 = arith.constant 0.000000e+00 : f32
    %broadcast_in_dim3A_206 = vector.shape_cast %broadcast_in_dim3A_17 : vector<2048x1xf32> to vector<2048x1xf32>
    %broadcast_in_dim3A_207 = vector.broadcast %broadcast_in_dim3A_206 : vector<2048x1xf32> to vector<2048x256xf32>
    %broadcast_in_dim3A_208 = vector.broadcast %jit3A_205 : f32 to vector<2048x256xf32>
    %select_n3A_209 = arith.select %eq3A_204, %broadcast_in_dim3A_207, %broadcast_in_dim3A_208 : vector<2048x256xi1>, vector<2048x256xf32>
    %reduce_sum3A_210 = arith.constant dense<0.000000e+00> : vector<256xf32>
    %reduce_sum3A_211 = vector.multi_reduction <add>, %select_n3A_209, %reduce_sum3A_210 [0] : vector<2048x256xf32> to vector<256xf32>
    %broadcast_in_dim3A_212 = vector.shape_cast %reduce_sum3A_211 : vector<256xf32> to vector<1x256xf32>
    %iota3A_213 = tpu.iota {dimensions = array<i32: 0>} : vector<2048x256xi32>
    %iota3A_214 = tpu.iota {dimensions = array<i32: 1>} : vector<2048x256xi32>
    %add3A_215 = arith.constant 1536 : i32
    %add3A_216 = vector.broadcast %add3A_215 : i32 to vector<2048x256xi32>
    %add3A_217 = arith.addi %iota3A_214, %add3A_216 : vector<2048x256xi32>
    %eq3A_218 = arith.cmpi eq, %iota3A_213, %add3A_217 : vector<2048x256xi32>
    %jit3A_219 = arith.constant 0.000000e+00 : f32
    %broadcast_in_dim3A_220 = vector.shape_cast %broadcast_in_dim3A_17 : vector<2048x1xf32> to vector<2048x1xf32>
    %broadcast_in_dim3A_221 = vector.broadcast %broadcast_in_dim3A_220 : vector<2048x1xf32> to vector<2048x256xf32>
    %broadcast_in_dim3A_222 = vector.broadcast %jit3A_219 : f32 to vector<2048x256xf32>
    %select_n3A_223 = arith.select %eq3A_218, %broadcast_in_dim3A_221, %broadcast_in_dim3A_222 : vector<2048x256xi1>, vector<2048x256xf32>
    %reduce_sum3A_224 = arith.constant dense<0.000000e+00> : vector<256xf32>
    %reduce_sum3A_225 = vector.multi_reduction <add>, %select_n3A_223, %reduce_sum3A_224 [0] : vector<2048x256xf32> to vector<256xf32>
    %broadcast_in_dim3A_226 = vector.shape_cast %reduce_sum3A_225 : vector<256xf32> to vector<1x256xf32>
    %iota3A_227 = tpu.iota {dimensions = array<i32: 0>} : vector<2048x256xi32>
    %iota3A_228 = tpu.iota {dimensions = array<i32: 1>} : vector<2048x256xi32>
    %add3A_229 = arith.constant 1792 : i32
    %add3A_230 = vector.broadcast %add3A_229 : i32 to vector<2048x256xi32>
    %add3A_231 = arith.addi %iota3A_228, %add3A_230 : vector<2048x256xi32>
    %eq3A_232 = arith.cmpi eq, %iota3A_227, %add3A_231 : vector<2048x256xi32>
    %jit3A_233 = arith.constant 0.000000e+00 : f32
    %broadcast_in_dim3A_234 = vector.shape_cast %broadcast_in_dim3A_17 : vector<2048x1xf32> to vector<2048x1xf32>
    %broadcast_in_dim3A_235 = vector.broadcast %broadcast_in_dim3A_234 : vector<2048x1xf32> to vector<2048x256xf32>
    %broadcast_in_dim3A_236 = vector.broadcast %jit3A_233 : f32 to vector<2048x256xf32>
    %select_n3A_237 = arith.select %eq3A_232, %broadcast_in_dim3A_235, %broadcast_in_dim3A_236 : vector<2048x256xi1>, vector<2048x256xf32>
    %reduce_sum3A_238 = arith.constant dense<0.000000e+00> : vector<256xf32>
    %reduce_sum3A_239 = vector.multi_reduction <add>, %select_n3A_237, %reduce_sum3A_238 [0] : vector<2048x256xf32> to vector<256xf32>
    %broadcast_in_dim3A_240 = vector.shape_cast %reduce_sum3A_239 : vector<256xf32> to vector<1x256xf32>
    %concatenate3A_241 = tpu.concatenate %broadcast_in_dim3A_142, %broadcast_in_dim3A_156, %broadcast_in_dim3A_170, %broadcast_in_dim3A_184, %broadcast_in_dim3A_198, %broadcast_in_dim3A_212, %broadcast_in_dim3A_226, %broadcast_in_dim3A_240 in 1 : vector<1x256xf32>, vector<1x256xf32>, vector<1x256xf32>, vector<1x256xf32>, vector<1x256xf32>, vector<1x256xf32>, vector<1x256xf32>, vector<1x256xf32> -> vector<1x2048xf32>
    %iota3A_242 = tpu.iota {dimensions = array<i32: 0>} : vector<2048x256xi32>
    %convert_element_type3A_243 = arith.sitofp %iota3A_242 : vector<2048x256xi32> to vector<2048x256xf32>
    %slice3A = vector.extract_strided_slice %concatenate3A {offsets = [0, 0], sizes = [1, 256], strides = [1, 1]} : vector<1x2048xf32> to vector<1x256xf32>
    %slice3A_244 = vector.extract_strided_slice %concatenate3A_241 {offsets = [0, 0], sizes = [1, 256], strides = [1, 1]} : vector<1x2048xf32> to vector<1x256xf32>
    %iota3A_245 = tpu.iota {dimensions = array<i32: 1>} : vector<1x256xi32>
    %convert_element_type3A_246 = arith.sitofp %iota3A_245 : vector<1x256xi32> to vector<1x256xf32>
    %add3A_247 = arith.constant 0.000000e+00 : f32
    %add3A_248 = vector.broadcast %add3A_247 : f32 to vector<1x256xf32>
    %add3A_249 = arith.addf %convert_element_type3A_246, %add3A_248 : vector<1x256xf32>
    %eq3A_250 = vector.broadcast %broadcast_in_dim3A_17 : vector<2048x1xf32> to vector<2048x256xf32>
    %eq3A_251 = vector.broadcast %slice3A_244 : vector<1x256xf32> to vector<2048x256xf32>
    %eq3A_252 = arith.cmpf oeq, %eq3A_250, %eq3A_251 : vector<2048x256xf32>
    %gt3A = vector.broadcast %broadcast_in_dim3A_13 : vector<2048x1xf32> to vector<2048x256xf32>
    %gt3A_253 = vector.broadcast %slice3A : vector<1x256xf32> to vector<2048x256xf32>
    %gt3A_254 = arith.cmpf ogt, %gt3A, %gt3A_253 : vector<2048x256xf32>
    %eq3A_255 = vector.broadcast %broadcast_in_dim3A_13 : vector<2048x1xf32> to vector<2048x256xf32>
    %eq3A_256 = vector.broadcast %slice3A : vector<1x256xf32> to vector<2048x256xf32>
    %eq3A_257 = arith.cmpf oeq, %eq3A_255, %eq3A_256 : vector<2048x256xf32>
    %lt3A = vector.broadcast %add3A_249 : vector<1x256xf32> to vector<2048x256xf32>
    %lt3A_258 = arith.cmpf olt, %convert_element_type3A_243, %lt3A : vector<2048x256xf32>
    %and3A = arith.andi %eq3A_257, %lt3A_258 : vector<2048x256xi1>
    %or3A = arith.ori %gt3A_254, %and3A : vector<2048x256xi1>
    %and3A_259 = arith.andi %eq3A_252, %or3A : vector<2048x256xi1>
    %jit3A_260 = arith.constant 1.000000e+00 : f32
    %jit3A_261 = arith.constant 0.000000e+00 : f32
    %broadcast_in_dim3A_262 = vector.broadcast %jit3A_260 : f32 to vector<2048x256xf32>
    %broadcast_in_dim3A_263 = vector.broadcast %jit3A_261 : f32 to vector<2048x256xf32>
    %select_n3A_264 = arith.select %and3A_259, %broadcast_in_dim3A_262, %broadcast_in_dim3A_263 : vector<2048x256xi1>, vector<2048x256xf32>
    %reduce_sum3A_265 = arith.constant dense<0.000000e+00> : vector<256xf32>
    %reduce_sum3A_266 = vector.multi_reduction <add>, %select_n3A_264, %reduce_sum3A_265 [0] : vector<2048x256xf32> to vector<256xf32>
    %broadcast_in_dim3A_267 = vector.shape_cast %reduce_sum3A_266 : vector<256xf32> to vector<1x256xf32>
    %slice3A_268 = vector.extract_strided_slice %concatenate3A {offsets = [0, 256], sizes = [1, 256], strides = [1, 1]} : vector<1x2048xf32> to vector<1x256xf32>
    %slice3A_269 = vector.extract_strided_slice %concatenate3A_241 {offsets = [0, 256], sizes = [1, 256], strides = [1, 1]} : vector<1x2048xf32> to vector<1x256xf32>
    %iota3A_270 = tpu.iota {dimensions = array<i32: 1>} : vector<1x256xi32>
    %convert_element_type3A_271 = arith.sitofp %iota3A_270 : vector<1x256xi32> to vector<1x256xf32>
    %add3A_272 = arith.constant 2.560000e+02 : f32
    %add3A_273 = vector.broadcast %add3A_272 : f32 to vector<1x256xf32>
    %add3A_274 = arith.addf %convert_element_type3A_271, %add3A_273 : vector<1x256xf32>
    %eq3A_275 = vector.broadcast %broadcast_in_dim3A_17 : vector<2048x1xf32> to vector<2048x256xf32>
    %eq3A_276 = vector.broadcast %slice3A_269 : vector<1x256xf32> to vector<2048x256xf32>
    %eq3A_277 = arith.cmpf oeq, %eq3A_275, %eq3A_276 : vector<2048x256xf32>
    %gt3A_278 = vector.broadcast %broadcast_in_dim3A_13 : vector<2048x1xf32> to vector<2048x256xf32>
    %gt3A_279 = vector.broadcast %slice3A_268 : vector<1x256xf32> to vector<2048x256xf32>
    %gt3A_280 = arith.cmpf ogt, %gt3A_278, %gt3A_279 : vector<2048x256xf32>
    %eq3A_281 = vector.broadcast %broadcast_in_dim3A_13 : vector<2048x1xf32> to vector<2048x256xf32>
    %eq3A_282 = vector.broadcast %slice3A_268 : vector<1x256xf32> to vector<2048x256xf32>
    %eq3A_283 = arith.cmpf oeq, %eq3A_281, %eq3A_282 : vector<2048x256xf32>
    %lt3A_284 = vector.broadcast %add3A_274 : vector<1x256xf32> to vector<2048x256xf32>
    %lt3A_285 = arith.cmpf olt, %convert_element_type3A_243, %lt3A_284 : vector<2048x256xf32>
    %and3A_286 = arith.andi %eq3A_283, %lt3A_285 : vector<2048x256xi1>
    %or3A_287 = arith.ori %gt3A_280, %and3A_286 : vector<2048x256xi1>
    %and3A_288 = arith.andi %eq3A_277, %or3A_287 : vector<2048x256xi1>
    %jit3A_289 = arith.constant 1.000000e+00 : f32
    %jit3A_290 = arith.constant 0.000000e+00 : f32
    %broadcast_in_dim3A_291 = vector.broadcast %jit3A_289 : f32 to vector<2048x256xf32>
    %broadcast_in_dim3A_292 = vector.broadcast %jit3A_290 : f32 to vector<2048x256xf32>
    %select_n3A_293 = arith.select %and3A_288, %broadcast_in_dim3A_291, %broadcast_in_dim3A_292 : vector<2048x256xi1>, vector<2048x256xf32>
    %reduce_sum3A_294 = arith.constant dense<0.000000e+00> : vector<256xf32>
    %reduce_sum3A_295 = vector.multi_reduction <add>, %select_n3A_293, %reduce_sum3A_294 [0] : vector<2048x256xf32> to vector<256xf32>
    %broadcast_in_dim3A_296 = vector.shape_cast %reduce_sum3A_295 : vector<256xf32> to vector<1x256xf32>
    %slice3A_297 = vector.extract_strided_slice %concatenate3A {offsets = [0, 512], sizes = [1, 256], strides = [1, 1]} : vector<1x2048xf32> to vector<1x256xf32>
    %slice3A_298 = vector.extract_strided_slice %concatenate3A_241 {offsets = [0, 512], sizes = [1, 256], strides = [1, 1]} : vector<1x2048xf32> to vector<1x256xf32>
    %iota3A_299 = tpu.iota {dimensions = array<i32: 1>} : vector<1x256xi32>
    %convert_element_type3A_300 = arith.sitofp %iota3A_299 : vector<1x256xi32> to vector<1x256xf32>
    %add3A_301 = arith.constant 5.120000e+02 : f32
    %add3A_302 = vector.broadcast %add3A_301 : f32 to vector<1x256xf32>
    %add3A_303 = arith.addf %convert_element_type3A_300, %add3A_302 : vector<1x256xf32>
    %eq3A_304 = vector.broadcast %broadcast_in_dim3A_17 : vector<2048x1xf32> to vector<2048x256xf32>
    %eq3A_305 = vector.broadcast %slice3A_298 : vector<1x256xf32> to vector<2048x256xf32>
    %eq3A_306 = arith.cmpf oeq, %eq3A_304, %eq3A_305 : vector<2048x256xf32>
    %gt3A_307 = vector.broadcast %broadcast_in_dim3A_13 : vector<2048x1xf32> to vector<2048x256xf32>
    %gt3A_308 = vector.broadcast %slice3A_297 : vector<1x256xf32> to vector<2048x256xf32>
    %gt3A_309 = arith.cmpf ogt, %gt3A_307, %gt3A_308 : vector<2048x256xf32>
    %eq3A_310 = vector.broadcast %broadcast_in_dim3A_13 : vector<2048x1xf32> to vector<2048x256xf32>
    %eq3A_311 = vector.broadcast %slice3A_297 : vector<1x256xf32> to vector<2048x256xf32>
    %eq3A_312 = arith.cmpf oeq, %eq3A_310, %eq3A_311 : vector<2048x256xf32>
    %lt3A_313 = vector.broadcast %add3A_303 : vector<1x256xf32> to vector<2048x256xf32>
    %lt3A_314 = arith.cmpf olt, %convert_element_type3A_243, %lt3A_313 : vector<2048x256xf32>
    %and3A_315 = arith.andi %eq3A_312, %lt3A_314 : vector<2048x256xi1>
    %or3A_316 = arith.ori %gt3A_309, %and3A_315 : vector<2048x256xi1>
    %and3A_317 = arith.andi %eq3A_306, %or3A_316 : vector<2048x256xi1>
    %jit3A_318 = arith.constant 1.000000e+00 : f32
    %jit3A_319 = arith.constant 0.000000e+00 : f32
    %broadcast_in_dim3A_320 = vector.broadcast %jit3A_318 : f32 to vector<2048x256xf32>
    %broadcast_in_dim3A_321 = vector.broadcast %jit3A_319 : f32 to vector<2048x256xf32>
    %select_n3A_322 = arith.select %and3A_317, %broadcast_in_dim3A_320, %broadcast_in_dim3A_321 : vector<2048x256xi1>, vector<2048x256xf32>
    %reduce_sum3A_323 = arith.constant dense<0.000000e+00> : vector<256xf32>
    %reduce_sum3A_324 = vector.multi_reduction <add>, %select_n3A_322, %reduce_sum3A_323 [0] : vector<2048x256xf32> to vector<256xf32>
    %broadcast_in_dim3A_325 = vector.shape_cast %reduce_sum3A_324 : vector<256xf32> to vector<1x256xf32>
    %slice3A_326 = vector.extract_strided_slice %concatenate3A {offsets = [0, 768], sizes = [1, 256], strides = [1, 1]} : vector<1x2048xf32> to vector<1x256xf32>
    %slice3A_327 = vector.extract_strided_slice %concatenate3A_241 {offsets = [0, 768], sizes = [1, 256], strides = [1, 1]} : vector<1x2048xf32> to vector<1x256xf32>
    %iota3A_328 = tpu.iota {dimensions = array<i32: 1>} : vector<1x256xi32>
    %convert_element_type3A_329 = arith.sitofp %iota3A_328 : vector<1x256xi32> to vector<1x256xf32>
    %add3A_330 = arith.constant 7.680000e+02 : f32
    %add3A_331 = vector.broadcast %add3A_330 : f32 to vector<1x256xf32>
    %add3A_332 = arith.addf %convert_element_type3A_329, %add3A_331 : vector<1x256xf32>
    %eq3A_333 = vector.broadcast %broadcast_in_dim3A_17 : vector<2048x1xf32> to vector<2048x256xf32>
    %eq3A_334 = vector.broadcast %slice3A_327 : vector<1x256xf32> to vector<2048x256xf32>
    %eq3A_335 = arith.cmpf oeq, %eq3A_333, %eq3A_334 : vector<2048x256xf32>
    %gt3A_336 = vector.broadcast %broadcast_in_dim3A_13 : vector<2048x1xf32> to vector<2048x256xf32>
    %gt3A_337 = vector.broadcast %slice3A_326 : vector<1x256xf32> to vector<2048x256xf32>
    %gt3A_338 = arith.cmpf ogt, %gt3A_336, %gt3A_337 : vector<2048x256xf32>
    %eq3A_339 = vector.broadcast %broadcast_in_dim3A_13 : vector<2048x1xf32> to vector<2048x256xf32>
    %eq3A_340 = vector.broadcast %slice3A_326 : vector<1x256xf32> to vector<2048x256xf32>
    %eq3A_341 = arith.cmpf oeq, %eq3A_339, %eq3A_340 : vector<2048x256xf32>
    %lt3A_342 = vector.broadcast %add3A_332 : vector<1x256xf32> to vector<2048x256xf32>
    %lt3A_343 = arith.cmpf olt, %convert_element_type3A_243, %lt3A_342 : vector<2048x256xf32>
    %and3A_344 = arith.andi %eq3A_341, %lt3A_343 : vector<2048x256xi1>
    %or3A_345 = arith.ori %gt3A_338, %and3A_344 : vector<2048x256xi1>
    %and3A_346 = arith.andi %eq3A_335, %or3A_345 : vector<2048x256xi1>
    %jit3A_347 = arith.constant 1.000000e+00 : f32
    %jit3A_348 = arith.constant 0.000000e+00 : f32
    %broadcast_in_dim3A_349 = vector.broadcast %jit3A_347 : f32 to vector<2048x256xf32>
    %broadcast_in_dim3A_350 = vector.broadcast %jit3A_348 : f32 to vector<2048x256xf32>
    %select_n3A_351 = arith.select %and3A_346, %broadcast_in_dim3A_349, %broadcast_in_dim3A_350 : vector<2048x256xi1>, vector<2048x256xf32>
    %reduce_sum3A_352 = arith.constant dense<0.000000e+00> : vector<256xf32>
    %reduce_sum3A_353 = vector.multi_reduction <add>, %select_n3A_351, %reduce_sum3A_352 [0] : vector<2048x256xf32> to vector<256xf32>
    %broadcast_in_dim3A_354 = vector.shape_cast %reduce_sum3A_353 : vector<256xf32> to vector<1x256xf32>
    %slice3A_355 = vector.extract_strided_slice %concatenate3A {offsets = [0, 1024], sizes = [1, 256], strides = [1, 1]} : vector<1x2048xf32> to vector<1x256xf32>
    %slice3A_356 = vector.extract_strided_slice %concatenate3A_241 {offsets = [0, 1024], sizes = [1, 256], strides = [1, 1]} : vector<1x2048xf32> to vector<1x256xf32>
    %iota3A_357 = tpu.iota {dimensions = array<i32: 1>} : vector<1x256xi32>
    %convert_element_type3A_358 = arith.sitofp %iota3A_357 : vector<1x256xi32> to vector<1x256xf32>
    %add3A_359 = arith.constant 1.024000e+03 : f32
    %add3A_360 = vector.broadcast %add3A_359 : f32 to vector<1x256xf32>
    %add3A_361 = arith.addf %convert_element_type3A_358, %add3A_360 : vector<1x256xf32>
    %eq3A_362 = vector.broadcast %broadcast_in_dim3A_17 : vector<2048x1xf32> to vector<2048x256xf32>
    %eq3A_363 = vector.broadcast %slice3A_356 : vector<1x256xf32> to vector<2048x256xf32>
    %eq3A_364 = arith.cmpf oeq, %eq3A_362, %eq3A_363 : vector<2048x256xf32>
    %gt3A_365 = vector.broadcast %broadcast_in_dim3A_13 : vector<2048x1xf32> to vector<2048x256xf32>
    %gt3A_366 = vector.broadcast %slice3A_355 : vector<1x256xf32> to vector<2048x256xf32>
    %gt3A_367 = arith.cmpf ogt, %gt3A_365, %gt3A_366 : vector<2048x256xf32>
    %eq3A_368 = vector.broadcast %broadcast_in_dim3A_13 : vector<2048x1xf32> to vector<2048x256xf32>
    %eq3A_369 = vector.broadcast %slice3A_355 : vector<1x256xf32> to vector<2048x256xf32>
    %eq3A_370 = arith.cmpf oeq, %eq3A_368, %eq3A_369 : vector<2048x256xf32>
    %lt3A_371 = vector.broadcast %add3A_361 : vector<1x256xf32> to vector<2048x256xf32>
    %lt3A_372 = arith.cmpf olt, %convert_element_type3A_243, %lt3A_371 : vector<2048x256xf32>
    %and3A_373 = arith.andi %eq3A_370, %lt3A_372 : vector<2048x256xi1>
    %or3A_374 = arith.ori %gt3A_367, %and3A_373 : vector<2048x256xi1>
    %and3A_375 = arith.andi %eq3A_364, %or3A_374 : vector<2048x256xi1>
    %jit3A_376 = arith.constant 1.000000e+00 : f32
    %jit3A_377 = arith.constant 0.000000e+00 : f32
    %broadcast_in_dim3A_378 = vector.broadcast %jit3A_376 : f32 to vector<2048x256xf32>
    %broadcast_in_dim3A_379 = vector.broadcast %jit3A_377 : f32 to vector<2048x256xf32>
    %select_n3A_380 = arith.select %and3A_375, %broadcast_in_dim3A_378, %broadcast_in_dim3A_379 : vector<2048x256xi1>, vector<2048x256xf32>
    %reduce_sum3A_381 = arith.constant dense<0.000000e+00> : vector<256xf32>
    %reduce_sum3A_382 = vector.multi_reduction <add>, %select_n3A_380, %reduce_sum3A_381 [0] : vector<2048x256xf32> to vector<256xf32>
    %broadcast_in_dim3A_383 = vector.shape_cast %reduce_sum3A_382 : vector<256xf32> to vector<1x256xf32>
    %slice3A_384 = vector.extract_strided_slice %concatenate3A {offsets = [0, 1280], sizes = [1, 256], strides = [1, 1]} : vector<1x2048xf32> to vector<1x256xf32>
    %slice3A_385 = vector.extract_strided_slice %concatenate3A_241 {offsets = [0, 1280], sizes = [1, 256], strides = [1, 1]} : vector<1x2048xf32> to vector<1x256xf32>
    %iota3A_386 = tpu.iota {dimensions = array<i32: 1>} : vector<1x256xi32>
    %convert_element_type3A_387 = arith.sitofp %iota3A_386 : vector<1x256xi32> to vector<1x256xf32>
    %add3A_388 = arith.constant 1.280000e+03 : f32
    %add3A_389 = vector.broadcast %add3A_388 : f32 to vector<1x256xf32>
    %add3A_390 = arith.addf %convert_element_type3A_387, %add3A_389 : vector<1x256xf32>
    %eq3A_391 = vector.broadcast %broadcast_in_dim3A_17 : vector<2048x1xf32> to vector<2048x256xf32>
    %eq3A_392 = vector.broadcast %slice3A_385 : vector<1x256xf32> to vector<2048x256xf32>
    %eq3A_393 = arith.cmpf oeq, %eq3A_391, %eq3A_392 : vector<2048x256xf32>
    %gt3A_394 = vector.broadcast %broadcast_in_dim3A_13 : vector<2048x1xf32> to vector<2048x256xf32>
    %gt3A_395 = vector.broadcast %slice3A_384 : vector<1x256xf32> to vector<2048x256xf32>
    %gt3A_396 = arith.cmpf ogt, %gt3A_394, %gt3A_395 : vector<2048x256xf32>
    %eq3A_397 = vector.broadcast %broadcast_in_dim3A_13 : vector<2048x1xf32> to vector<2048x256xf32>
    %eq3A_398 = vector.broadcast %slice3A_384 : vector<1x256xf32> to vector<2048x256xf32>
    %eq3A_399 = arith.cmpf oeq, %eq3A_397, %eq3A_398 : vector<2048x256xf32>
    %lt3A_400 = vector.broadcast %add3A_390 : vector<1x256xf32> to vector<2048x256xf32>
    %lt3A_401 = arith.cmpf olt, %convert_element_type3A_243, %lt3A_400 : vector<2048x256xf32>
    %and3A_402 = arith.andi %eq3A_399, %lt3A_401 : vector<2048x256xi1>
    %or3A_403 = arith.ori %gt3A_396, %and3A_402 : vector<2048x256xi1>
    %and3A_404 = arith.andi %eq3A_393, %or3A_403 : vector<2048x256xi1>
    %jit3A_405 = arith.constant 1.000000e+00 : f32
    %jit3A_406 = arith.constant 0.000000e+00 : f32
    %broadcast_in_dim3A_407 = vector.broadcast %jit3A_405 : f32 to vector<2048x256xf32>
    %broadcast_in_dim3A_408 = vector.broadcast %jit3A_406 : f32 to vector<2048x256xf32>
    %select_n3A_409 = arith.select %and3A_404, %broadcast_in_dim3A_407, %broadcast_in_dim3A_408 : vector<2048x256xi1>, vector<2048x256xf32>
    %reduce_sum3A_410 = arith.constant dense<0.000000e+00> : vector<256xf32>
    %reduce_sum3A_411 = vector.multi_reduction <add>, %select_n3A_409, %reduce_sum3A_410 [0] : vector<2048x256xf32> to vector<256xf32>
    %broadcast_in_dim3A_412 = vector.shape_cast %reduce_sum3A_411 : vector<256xf32> to vector<1x256xf32>
    %slice3A_413 = vector.extract_strided_slice %concatenate3A {offsets = [0, 1536], sizes = [1, 256], strides = [1, 1]} : vector<1x2048xf32> to vector<1x256xf32>
    %slice3A_414 = vector.extract_strided_slice %concatenate3A_241 {offsets = [0, 1536], sizes = [1, 256], strides = [1, 1]} : vector<1x2048xf32> to vector<1x256xf32>
    %iota3A_415 = tpu.iota {dimensions = array<i32: 1>} : vector<1x256xi32>
    %convert_element_type3A_416 = arith.sitofp %iota3A_415 : vector<1x256xi32> to vector<1x256xf32>
    %add3A_417 = arith.constant 1.536000e+03 : f32
    %add3A_418 = vector.broadcast %add3A_417 : f32 to vector<1x256xf32>
    %add3A_419 = arith.addf %convert_element_type3A_416, %add3A_418 : vector<1x256xf32>
    %eq3A_420 = vector.broadcast %broadcast_in_dim3A_17 : vector<2048x1xf32> to vector<2048x256xf32>
    %eq3A_421 = vector.broadcast %slice3A_414 : vector<1x256xf32> to vector<2048x256xf32>
    %eq3A_422 = arith.cmpf oeq, %eq3A_420, %eq3A_421 : vector<2048x256xf32>
    %gt3A_423 = vector.broadcast %broadcast_in_dim3A_13 : vector<2048x1xf32> to vector<2048x256xf32>
    %gt3A_424 = vector.broadcast %slice3A_413 : vector<1x256xf32> to vector<2048x256xf32>
    %gt3A_425 = arith.cmpf ogt, %gt3A_423, %gt3A_424 : vector<2048x256xf32>
    %eq3A_426 = vector.broadcast %broadcast_in_dim3A_13 : vector<2048x1xf32> to vector<2048x256xf32>
    %eq3A_427 = vector.broadcast %slice3A_413 : vector<1x256xf32> to vector<2048x256xf32>
    %eq3A_428 = arith.cmpf oeq, %eq3A_426, %eq3A_427 : vector<2048x256xf32>
    %lt3A_429 = vector.broadcast %add3A_419 : vector<1x256xf32> to vector<2048x256xf32>
    %lt3A_430 = arith.cmpf olt, %convert_element_type3A_243, %lt3A_429 : vector<2048x256xf32>
    %and3A_431 = arith.andi %eq3A_428, %lt3A_430 : vector<2048x256xi1>
    %or3A_432 = arith.ori %gt3A_425, %and3A_431 : vector<2048x256xi1>
    %and3A_433 = arith.andi %eq3A_422, %or3A_432 : vector<2048x256xi1>
    %jit3A_434 = arith.constant 1.000000e+00 : f32
    %jit3A_435 = arith.constant 0.000000e+00 : f32
    %broadcast_in_dim3A_436 = vector.broadcast %jit3A_434 : f32 to vector<2048x256xf32>
    %broadcast_in_dim3A_437 = vector.broadcast %jit3A_435 : f32 to vector<2048x256xf32>
    %select_n3A_438 = arith.select %and3A_433, %broadcast_in_dim3A_436, %broadcast_in_dim3A_437 : vector<2048x256xi1>, vector<2048x256xf32>
    %reduce_sum3A_439 = arith.constant dense<0.000000e+00> : vector<256xf32>
    %reduce_sum3A_440 = vector.multi_reduction <add>, %select_n3A_438, %reduce_sum3A_439 [0] : vector<2048x256xf32> to vector<256xf32>
    %broadcast_in_dim3A_441 = vector.shape_cast %reduce_sum3A_440 : vector<256xf32> to vector<1x256xf32>
    %slice3A_442 = vector.extract_strided_slice %concatenate3A {offsets = [0, 1792], sizes = [1, 256], strides = [1, 1]} : vector<1x2048xf32> to vector<1x256xf32>
    %slice3A_443 = vector.extract_strided_slice %concatenate3A_241 {offsets = [0, 1792], sizes = [1, 256], strides = [1, 1]} : vector<1x2048xf32> to vector<1x256xf32>
    %iota3A_444 = tpu.iota {dimensions = array<i32: 1>} : vector<1x256xi32>
    %convert_element_type3A_445 = arith.sitofp %iota3A_444 : vector<1x256xi32> to vector<1x256xf32>
    %add3A_446 = arith.constant 1.792000e+03 : f32
    %add3A_447 = vector.broadcast %add3A_446 : f32 to vector<1x256xf32>
    %add3A_448 = arith.addf %convert_element_type3A_445, %add3A_447 : vector<1x256xf32>
    %eq3A_449 = vector.broadcast %broadcast_in_dim3A_17 : vector<2048x1xf32> to vector<2048x256xf32>
    %eq3A_450 = vector.broadcast %slice3A_443 : vector<1x256xf32> to vector<2048x256xf32>
    %eq3A_451 = arith.cmpf oeq, %eq3A_449, %eq3A_450 : vector<2048x256xf32>
    %gt3A_452 = vector.broadcast %broadcast_in_dim3A_13 : vector<2048x1xf32> to vector<2048x256xf32>
    %gt3A_453 = vector.broadcast %slice3A_442 : vector<1x256xf32> to vector<2048x256xf32>
    %gt3A_454 = arith.cmpf ogt, %gt3A_452, %gt3A_453 : vector<2048x256xf32>
    %eq3A_455 = vector.broadcast %broadcast_in_dim3A_13 : vector<2048x1xf32> to vector<2048x256xf32>
    %eq3A_456 = vector.broadcast %slice3A_442 : vector<1x256xf32> to vector<2048x256xf32>
    %eq3A_457 = arith.cmpf oeq, %eq3A_455, %eq3A_456 : vector<2048x256xf32>
    %lt3A_458 = vector.broadcast %add3A_448 : vector<1x256xf32> to vector<2048x256xf32>
    %lt3A_459 = arith.cmpf olt, %convert_element_type3A_243, %lt3A_458 : vector<2048x256xf32>
    %and3A_460 = arith.andi %eq3A_457, %lt3A_459 : vector<2048x256xi1>
    %or3A_461 = arith.ori %gt3A_454, %and3A_460 : vector<2048x256xi1>
    %and3A_462 = arith.andi %eq3A_451, %or3A_461 : vector<2048x256xi1>
    %jit3A_463 = arith.constant 1.000000e+00 : f32
    %jit3A_464 = arith.constant 0.000000e+00 : f32
    %broadcast_in_dim3A_465 = vector.broadcast %jit3A_463 : f32 to vector<2048x256xf32>
    %broadcast_in_dim3A_466 = vector.broadcast %jit3A_464 : f32 to vector<2048x256xf32>
    %select_n3A_467 = arith.select %and3A_462, %broadcast_in_dim3A_465, %broadcast_in_dim3A_466 : vector<2048x256xi1>, vector<2048x256xf32>
    %reduce_sum3A_468 = arith.constant dense<0.000000e+00> : vector<256xf32>
    %reduce_sum3A_469 = vector.multi_reduction <add>, %select_n3A_467, %reduce_sum3A_468 [0] : vector<2048x256xf32> to vector<256xf32>
    %broadcast_in_dim3A_470 = vector.shape_cast %reduce_sum3A_469 : vector<256xf32> to vector<1x256xf32>
    %concatenate3A_471 = tpu.concatenate %broadcast_in_dim3A_267, %broadcast_in_dim3A_296, %broadcast_in_dim3A_325, %broadcast_in_dim3A_354, %broadcast_in_dim3A_383, %broadcast_in_dim3A_412, %broadcast_in_dim3A_441, %broadcast_in_dim3A_470 in 1 : vector<1x256xf32>, vector<1x256xf32>, vector<1x256xf32>, vector<1x256xf32>, vector<1x256xf32>, vector<1x256xf32>, vector<1x256xf32>, vector<1x256xf32> -> vector<1x2048xf32>
    %lt3A_472 = arith.constant 6.400000e+01 : f32
    %lt3A_473 = vector.broadcast %lt3A_472 : f32 to vector<1x2048xf32>
    %lt3A_474 = arith.cmpf olt, %concatenate3A_471, %lt3A_473 : vector<1x2048xf32>
    %jit3A_475 = arith.constant 0.000000e+00 : f32
    %jit3A_476 = arith.constant 1.000000e+00 : f32
    %broadcast_in_dim3A_477 = vector.broadcast %jit3A_475 : f32 to vector<1x2048xf32>
    %broadcast_in_dim3A_478 = vector.broadcast %jit3A_476 : f32 to vector<1x2048xf32>
    %select_n3A_479 = arith.select %lt3A_474, %broadcast_in_dim3A_477, %broadcast_in_dim3A_478 : vector<1x2048xi1>, vector<1x2048xf32>
    %iota3A_480 = tpu.iota {dimensions = array<i32: 0>} : vector<256x2048xi32>
    %add3A_481 = arith.constant 0 : i32
    %add3A_482 = vector.broadcast %add3A_481 : i32 to vector<256x2048xi32>
    %add3A_483 = arith.addi %iota3A_480, %add3A_482 : vector<256x2048xi32>
    %iota3A_484 = tpu.iota {dimensions = array<i32: 1>} : vector<256x2048xi32>
    %eq3A_485 = arith.cmpi eq, %add3A_483, %iota3A_484 : vector<256x2048xi32>
    %jit3A_486 = arith.constant 0.000000e+00 : f32
    %broadcast_in_dim3A_487 = vector.shape_cast %select_n3A_479 : vector<1x2048xf32> to vector<1x2048xf32>
    %broadcast_in_dim3A_488 = vector.broadcast %broadcast_in_dim3A_487 : vector<1x2048xf32> to vector<256x2048xf32>
    %broadcast_in_dim3A_489 = vector.broadcast %jit3A_486 : f32 to vector<256x2048xf32>
    %select_n3A_490 = arith.select %eq3A_485, %broadcast_in_dim3A_488, %broadcast_in_dim3A_489 : vector<256x2048xi1>, vector<256x2048xf32>
    %reduce_sum3A_491 = arith.constant dense<0.000000e+00> : vector<256xf32>
    %reduce_sum3A_492 = vector.multi_reduction <add>, %select_n3A_490, %reduce_sum3A_491 [1] : vector<256x2048xf32> to vector<256xf32>
    %broadcast_in_dim3A_493 = vector.shape_cast %reduce_sum3A_492 : vector<256xf32> to vector<256x1xf32>
    %iota3A_494 = tpu.iota {dimensions = array<i32: 0>} : vector<256x2048xi32>
    %add3A_495 = arith.constant 256 : i32
    %add3A_496 = vector.broadcast %add3A_495 : i32 to vector<256x2048xi32>
    %add3A_497 = arith.addi %iota3A_494, %add3A_496 : vector<256x2048xi32>
    %iota3A_498 = tpu.iota {dimensions = array<i32: 1>} : vector<256x2048xi32>
    %eq3A_499 = arith.cmpi eq, %add3A_497, %iota3A_498 : vector<256x2048xi32>
    %jit3A_500 = arith.constant 0.000000e+00 : f32
    %broadcast_in_dim3A_501 = vector.shape_cast %select_n3A_479 : vector<1x2048xf32> to vector<1x2048xf32>
    %broadcast_in_dim3A_502 = vector.broadcast %broadcast_in_dim3A_501 : vector<1x2048xf32> to vector<256x2048xf32>
    %broadcast_in_dim3A_503 = vector.broadcast %jit3A_500 : f32 to vector<256x2048xf32>
    %select_n3A_504 = arith.select %eq3A_499, %broadcast_in_dim3A_502, %broadcast_in_dim3A_503 : vector<256x2048xi1>, vector<256x2048xf32>
    %reduce_sum3A_505 = arith.constant dense<0.000000e+00> : vector<256xf32>
    %reduce_sum3A_506 = vector.multi_reduction <add>, %select_n3A_504, %reduce_sum3A_505 [1] : vector<256x2048xf32> to vector<256xf32>
    %broadcast_in_dim3A_507 = vector.shape_cast %reduce_sum3A_506 : vector<256xf32> to vector<256x1xf32>
    %iota3A_508 = tpu.iota {dimensions = array<i32: 0>} : vector<256x2048xi32>
    %add3A_509 = arith.constant 512 : i32
    %add3A_510 = vector.broadcast %add3A_509 : i32 to vector<256x2048xi32>
    %add3A_511 = arith.addi %iota3A_508, %add3A_510 : vector<256x2048xi32>
    %iota3A_512 = tpu.iota {dimensions = array<i32: 1>} : vector<256x2048xi32>
    %eq3A_513 = arith.cmpi eq, %add3A_511, %iota3A_512 : vector<256x2048xi32>
    %jit3A_514 = arith.constant 0.000000e+00 : f32
    %broadcast_in_dim3A_515 = vector.shape_cast %select_n3A_479 : vector<1x2048xf32> to vector<1x2048xf32>
    %broadcast_in_dim3A_516 = vector.broadcast %broadcast_in_dim3A_515 : vector<1x2048xf32> to vector<256x2048xf32>
    %broadcast_in_dim3A_517 = vector.broadcast %jit3A_514 : f32 to vector<256x2048xf32>
    %select_n3A_518 = arith.select %eq3A_513, %broadcast_in_dim3A_516, %broadcast_in_dim3A_517 : vector<256x2048xi1>, vector<256x2048xf32>
    %reduce_sum3A_519 = arith.constant dense<0.000000e+00> : vector<256xf32>
    %reduce_sum3A_520 = vector.multi_reduction <add>, %select_n3A_518, %reduce_sum3A_519 [1] : vector<256x2048xf32> to vector<256xf32>
    %broadcast_in_dim3A_521 = vector.shape_cast %reduce_sum3A_520 : vector<256xf32> to vector<256x1xf32>
    %iota3A_522 = tpu.iota {dimensions = array<i32: 0>} : vector<256x2048xi32>
    %add3A_523 = arith.constant 768 : i32
    %add3A_524 = vector.broadcast %add3A_523 : i32 to vector<256x2048xi32>
    %add3A_525 = arith.addi %iota3A_522, %add3A_524 : vector<256x2048xi32>
    %iota3A_526 = tpu.iota {dimensions = array<i32: 1>} : vector<256x2048xi32>
    %eq3A_527 = arith.cmpi eq, %add3A_525, %iota3A_526 : vector<256x2048xi32>
    %jit3A_528 = arith.constant 0.000000e+00 : f32
    %broadcast_in_dim3A_529 = vector.shape_cast %select_n3A_479 : vector<1x2048xf32> to vector<1x2048xf32>
    %broadcast_in_dim3A_530 = vector.broadcast %broadcast_in_dim3A_529 : vector<1x2048xf32> to vector<256x2048xf32>
    %broadcast_in_dim3A_531 = vector.broadcast %jit3A_528 : f32 to vector<256x2048xf32>
    %select_n3A_532 = arith.select %eq3A_527, %broadcast_in_dim3A_530, %broadcast_in_dim3A_531 : vector<256x2048xi1>, vector<256x2048xf32>
    %reduce_sum3A_533 = arith.constant dense<0.000000e+00> : vector<256xf32>
    %reduce_sum3A_534 = vector.multi_reduction <add>, %select_n3A_532, %reduce_sum3A_533 [1] : vector<256x2048xf32> to vector<256xf32>
    %broadcast_in_dim3A_535 = vector.shape_cast %reduce_sum3A_534 : vector<256xf32> to vector<256x1xf32>
    %iota3A_536 = tpu.iota {dimensions = array<i32: 0>} : vector<256x2048xi32>
    %add3A_537 = arith.constant 1024 : i32
    %add3A_538 = vector.broadcast %add3A_537 : i32 to vector<256x2048xi32>
    %add3A_539 = arith.addi %iota3A_536, %add3A_538 : vector<256x2048xi32>
    %iota3A_540 = tpu.iota {dimensions = array<i32: 1>} : vector<256x2048xi32>
    %eq3A_541 = arith.cmpi eq, %add3A_539, %iota3A_540 : vector<256x2048xi32>
    %jit3A_542 = arith.constant 0.000000e+00 : f32
    %broadcast_in_dim3A_543 = vector.shape_cast %select_n3A_479 : vector<1x2048xf32> to vector<1x2048xf32>
    %broadcast_in_dim3A_544 = vector.broadcast %broadcast_in_dim3A_543 : vector<1x2048xf32> to vector<256x2048xf32>
    %broadcast_in_dim3A_545 = vector.broadcast %jit3A_542 : f32 to vector<256x2048xf32>
    %select_n3A_546 = arith.select %eq3A_541, %broadcast_in_dim3A_544, %broadcast_in_dim3A_545 : vector<256x2048xi1>, vector<256x2048xf32>
    %reduce_sum3A_547 = arith.constant dense<0.000000e+00> : vector<256xf32>
    %reduce_sum3A_548 = vector.multi_reduction <add>, %select_n3A_546, %reduce_sum3A_547 [1] : vector<256x2048xf32> to vector<256xf32>
    %broadcast_in_dim3A_549 = vector.shape_cast %reduce_sum3A_548 : vector<256xf32> to vector<256x1xf32>
    %iota3A_550 = tpu.iota {dimensions = array<i32: 0>} : vector<256x2048xi32>
    %add3A_551 = arith.constant 1280 : i32
    %add3A_552 = vector.broadcast %add3A_551 : i32 to vector<256x2048xi32>
    %add3A_553 = arith.addi %iota3A_550, %add3A_552 : vector<256x2048xi32>
    %iota3A_554 = tpu.iota {dimensions = array<i32: 1>} : vector<256x2048xi32>
    %eq3A_555 = arith.cmpi eq, %add3A_553, %iota3A_554 : vector<256x2048xi32>
    %jit3A_556 = arith.constant 0.000000e+00 : f32
    %broadcast_in_dim3A_557 = vector.shape_cast %select_n3A_479 : vector<1x2048xf32> to vector<1x2048xf32>
    %broadcast_in_dim3A_558 = vector.broadcast %broadcast_in_dim3A_557 : vector<1x2048xf32> to vector<256x2048xf32>
    %broadcast_in_dim3A_559 = vector.broadcast %jit3A_556 : f32 to vector<256x2048xf32>
    %select_n3A_560 = arith.select %eq3A_555, %broadcast_in_dim3A_558, %broadcast_in_dim3A_559 : vector<256x2048xi1>, vector<256x2048xf32>
    %reduce_sum3A_561 = arith.constant dense<0.000000e+00> : vector<256xf32>
    %reduce_sum3A_562 = vector.multi_reduction <add>, %select_n3A_560, %reduce_sum3A_561 [1] : vector<256x2048xf32> to vector<256xf32>
    %broadcast_in_dim3A_563 = vector.shape_cast %reduce_sum3A_562 : vector<256xf32> to vector<256x1xf32>
    %iota3A_564 = tpu.iota {dimensions = array<i32: 0>} : vector<256x2048xi32>
    %add3A_565 = arith.constant 1536 : i32
    %add3A_566 = vector.broadcast %add3A_565 : i32 to vector<256x2048xi32>
    %add3A_567 = arith.addi %iota3A_564, %add3A_566 : vector<256x2048xi32>
    %iota3A_568 = tpu.iota {dimensions = array<i32: 1>} : vector<256x2048xi32>
    %eq3A_569 = arith.cmpi eq, %add3A_567, %iota3A_568 : vector<256x2048xi32>
    %jit3A_570 = arith.constant 0.000000e+00 : f32
    %broadcast_in_dim3A_571 = vector.shape_cast %select_n3A_479 : vector<1x2048xf32> to vector<1x2048xf32>
    %broadcast_in_dim3A_572 = vector.broadcast %broadcast_in_dim3A_571 : vector<1x2048xf32> to vector<256x2048xf32>
    %broadcast_in_dim3A_573 = vector.broadcast %jit3A_570 : f32 to vector<256x2048xf32>
    %select_n3A_574 = arith.select %eq3A_569, %broadcast_in_dim3A_572, %broadcast_in_dim3A_573 : vector<256x2048xi1>, vector<256x2048xf32>
    %reduce_sum3A_575 = arith.constant dense<0.000000e+00> : vector<256xf32>
    %reduce_sum3A_576 = vector.multi_reduction <add>, %select_n3A_574, %reduce_sum3A_575 [1] : vector<256x2048xf32> to vector<256xf32>
    %broadcast_in_dim3A_577 = vector.shape_cast %reduce_sum3A_576 : vector<256xf32> to vector<256x1xf32>
    %iota3A_578 = tpu.iota {dimensions = array<i32: 0>} : vector<256x2048xi32>
    %add3A_579 = arith.constant 1792 : i32
    %add3A_580 = vector.broadcast %add3A_579 : i32 to vector<256x2048xi32>
    %add3A_581 = arith.addi %iota3A_578, %add3A_580 : vector<256x2048xi32>
    %iota3A_582 = tpu.iota {dimensions = array<i32: 1>} : vector<256x2048xi32>
    %eq3A_583 = arith.cmpi eq, %add3A_581, %iota3A_582 : vector<256x2048xi32>
    %jit3A_584 = arith.constant 0.000000e+00 : f32
    %broadcast_in_dim3A_585 = vector.shape_cast %select_n3A_479 : vector<1x2048xf32> to vector<1x2048xf32>
    %broadcast_in_dim3A_586 = vector.broadcast %broadcast_in_dim3A_585 : vector<1x2048xf32> to vector<256x2048xf32>
    %broadcast_in_dim3A_587 = vector.broadcast %jit3A_584 : f32 to vector<256x2048xf32>
    %select_n3A_588 = arith.select %eq3A_583, %broadcast_in_dim3A_586, %broadcast_in_dim3A_587 : vector<256x2048xi1>, vector<256x2048xf32>
    %reduce_sum3A_589 = arith.constant dense<0.000000e+00> : vector<256xf32>
    %reduce_sum3A_590 = vector.multi_reduction <add>, %select_n3A_588, %reduce_sum3A_589 [1] : vector<256x2048xf32> to vector<256xf32>
    %broadcast_in_dim3A_591 = vector.shape_cast %reduce_sum3A_590 : vector<256xf32> to vector<256x1xf32>
    %concatenate3A_592 = tpu.concatenate %broadcast_in_dim3A_493, %broadcast_in_dim3A_507, %broadcast_in_dim3A_521, %broadcast_in_dim3A_535, %broadcast_in_dim3A_549, %broadcast_in_dim3A_563, %broadcast_in_dim3A_577, %broadcast_in_dim3A_591 in 0 : vector<256x1xf32>, vector<256x1xf32>, vector<256x1xf32>, vector<256x1xf32>, vector<256x1xf32>, vector<256x1xf32>, vector<256x1xf32>, vector<256x1xf32> -> vector<2048x1xf32>
    %iota3A_593 = tpu.iota {dimensions = array<i32: 1>} : vector<1x256xi32>
    %convert_element_type3A_594 = arith.sitofp %iota3A_593 : vector<1x256xi32> to vector<1x256xf32>
    %add3A_595 = arith.constant 0.000000e+00 : f32
    %add3A_596 = vector.broadcast %add3A_595 : f32 to vector<1x256xf32>
    %add3A_597 = arith.addf %convert_element_type3A_594, %add3A_596 : vector<1x256xf32>
    %lt3A_598 = vector.broadcast %add3A_597 : vector<1x256xf32> to vector<2048x256xf32>
    %lt3A_599 = arith.cmpf olt, %convert_element_type3A_243, %lt3A_598 : vector<2048x256xf32>
    %jit3A_600 = arith.constant 0.000000e+00 : f32
    %broadcast_in_dim3A_601 = vector.shape_cast %concatenate3A_592 : vector<2048x1xf32> to vector<2048x1xf32>
    %broadcast_in_dim3A_602 = vector.broadcast %broadcast_in_dim3A_601 : vector<2048x1xf32> to vector<2048x256xf32>
    %broadcast_in_dim3A_603 = vector.broadcast %jit3A_600 : f32 to vector<2048x256xf32>
    %select_n3A_604 = arith.select %lt3A_599, %broadcast_in_dim3A_602, %broadcast_in_dim3A_603 : vector<2048x256xi1>, vector<2048x256xf32>
    %reduce_sum3A_605 = arith.constant dense<0.000000e+00> : vector<256xf32>
    %reduce_sum3A_606 = vector.multi_reduction <add>, %select_n3A_604, %reduce_sum3A_605 [0] : vector<2048x256xf32> to vector<256xf32>
    %broadcast_in_dim3A_607 = vector.shape_cast %reduce_sum3A_606 : vector<256xf32> to vector<1x256xf32>
    %iota3A_608 = tpu.iota {dimensions = array<i32: 1>} : vector<1x256xi32>
    %convert_element_type3A_609 = arith.sitofp %iota3A_608 : vector<1x256xi32> to vector<1x256xf32>
    %add3A_610 = arith.constant 2.560000e+02 : f32
    %add3A_611 = vector.broadcast %add3A_610 : f32 to vector<1x256xf32>
    %add3A_612 = arith.addf %convert_element_type3A_609, %add3A_611 : vector<1x256xf32>
    %lt3A_613 = vector.broadcast %add3A_612 : vector<1x256xf32> to vector<2048x256xf32>
    %lt3A_614 = arith.cmpf olt, %convert_element_type3A_243, %lt3A_613 : vector<2048x256xf32>
    %jit3A_615 = arith.constant 0.000000e+00 : f32
    %broadcast_in_dim3A_616 = vector.shape_cast %concatenate3A_592 : vector<2048x1xf32> to vector<2048x1xf32>
    %broadcast_in_dim3A_617 = vector.broadcast %broadcast_in_dim3A_616 : vector<2048x1xf32> to vector<2048x256xf32>
    %broadcast_in_dim3A_618 = vector.broadcast %jit3A_615 : f32 to vector<2048x256xf32>
    %select_n3A_619 = arith.select %lt3A_614, %broadcast_in_dim3A_617, %broadcast_in_dim3A_618 : vector<2048x256xi1>, vector<2048x256xf32>
    %reduce_sum3A_620 = arith.constant dense<0.000000e+00> : vector<256xf32>
    %reduce_sum3A_621 = vector.multi_reduction <add>, %select_n3A_619, %reduce_sum3A_620 [0] : vector<2048x256xf32> to vector<256xf32>
    %broadcast_in_dim3A_622 = vector.shape_cast %reduce_sum3A_621 : vector<256xf32> to vector<1x256xf32>
    %iota3A_623 = tpu.iota {dimensions = array<i32: 1>} : vector<1x256xi32>
    %convert_element_type3A_624 = arith.sitofp %iota3A_623 : vector<1x256xi32> to vector<1x256xf32>
    %add3A_625 = arith.constant 5.120000e+02 : f32
    %add3A_626 = vector.broadcast %add3A_625 : f32 to vector<1x256xf32>
    %add3A_627 = arith.addf %convert_element_type3A_624, %add3A_626 : vector<1x256xf32>
    %lt3A_628 = vector.broadcast %add3A_627 : vector<1x256xf32> to vector<2048x256xf32>
    %lt3A_629 = arith.cmpf olt, %convert_element_type3A_243, %lt3A_628 : vector<2048x256xf32>
    %jit3A_630 = arith.constant 0.000000e+00 : f32
    %broadcast_in_dim3A_631 = vector.shape_cast %concatenate3A_592 : vector<2048x1xf32> to vector<2048x1xf32>
    %broadcast_in_dim3A_632 = vector.broadcast %broadcast_in_dim3A_631 : vector<2048x1xf32> to vector<2048x256xf32>
    %broadcast_in_dim3A_633 = vector.broadcast %jit3A_630 : f32 to vector<2048x256xf32>
    %select_n3A_634 = arith.select %lt3A_629, %broadcast_in_dim3A_632, %broadcast_in_dim3A_633 : vector<2048x256xi1>, vector<2048x256xf32>
    %reduce_sum3A_635 = arith.constant dense<0.000000e+00> : vector<256xf32>
    %reduce_sum3A_636 = vector.multi_reduction <add>, %select_n3A_634, %reduce_sum3A_635 [0] : vector<2048x256xf32> to vector<256xf32>
    %broadcast_in_dim3A_637 = vector.shape_cast %reduce_sum3A_636 : vector<256xf32> to vector<1x256xf32>
    %iota3A_638 = tpu.iota {dimensions = array<i32: 1>} : vector<1x256xi32>
    %convert_element_type3A_639 = arith.sitofp %iota3A_638 : vector<1x256xi32> to vector<1x256xf32>
    %add3A_640 = arith.constant 7.680000e+02 : f32
    %add3A_641 = vector.broadcast %add3A_640 : f32 to vector<1x256xf32>
    %add3A_642 = arith.addf %convert_element_type3A_639, %add3A_641 : vector<1x256xf32>
    %lt3A_643 = vector.broadcast %add3A_642 : vector<1x256xf32> to vector<2048x256xf32>
    %lt3A_644 = arith.cmpf olt, %convert_element_type3A_243, %lt3A_643 : vector<2048x256xf32>
    %jit3A_645 = arith.constant 0.000000e+00 : f32
    %broadcast_in_dim3A_646 = vector.shape_cast %concatenate3A_592 : vector<2048x1xf32> to vector<2048x1xf32>
    %broadcast_in_dim3A_647 = vector.broadcast %broadcast_in_dim3A_646 : vector<2048x1xf32> to vector<2048x256xf32>
    %broadcast_in_dim3A_648 = vector.broadcast %jit3A_645 : f32 to vector<2048x256xf32>
    %select_n3A_649 = arith.select %lt3A_644, %broadcast_in_dim3A_647, %broadcast_in_dim3A_648 : vector<2048x256xi1>, vector<2048x256xf32>
    %reduce_sum3A_650 = arith.constant dense<0.000000e+00> : vector<256xf32>
    %reduce_sum3A_651 = vector.multi_reduction <add>, %select_n3A_649, %reduce_sum3A_650 [0] : vector<2048x256xf32> to vector<256xf32>
    %broadcast_in_dim3A_652 = vector.shape_cast %reduce_sum3A_651 : vector<256xf32> to vector<1x256xf32>
    %iota3A_653 = tpu.iota {dimensions = array<i32: 1>} : vector<1x256xi32>
    %convert_element_type3A_654 = arith.sitofp %iota3A_653 : vector<1x256xi32> to vector<1x256xf32>
    %add3A_655 = arith.constant 1.024000e+03 : f32
    %add3A_656 = vector.broadcast %add3A_655 : f32 to vector<1x256xf32>
    %add3A_657 = arith.addf %convert_element_type3A_654, %add3A_656 : vector<1x256xf32>
    %lt3A_658 = vector.broadcast %add3A_657 : vector<1x256xf32> to vector<2048x256xf32>
    %lt3A_659 = arith.cmpf olt, %convert_element_type3A_243, %lt3A_658 : vector<2048x256xf32>
    %jit3A_660 = arith.constant 0.000000e+00 : f32
    %broadcast_in_dim3A_661 = vector.shape_cast %concatenate3A_592 : vector<2048x1xf32> to vector<2048x1xf32>
    %broadcast_in_dim3A_662 = vector.broadcast %broadcast_in_dim3A_661 : vector<2048x1xf32> to vector<2048x256xf32>
    %broadcast_in_dim3A_663 = vector.broadcast %jit3A_660 : f32 to vector<2048x256xf32>
    %select_n3A_664 = arith.select %lt3A_659, %broadcast_in_dim3A_662, %broadcast_in_dim3A_663 : vector<2048x256xi1>, vector<2048x256xf32>
    %reduce_sum3A_665 = arith.constant dense<0.000000e+00> : vector<256xf32>
    %reduce_sum3A_666 = vector.multi_reduction <add>, %select_n3A_664, %reduce_sum3A_665 [0] : vector<2048x256xf32> to vector<256xf32>
    %broadcast_in_dim3A_667 = vector.shape_cast %reduce_sum3A_666 : vector<256xf32> to vector<1x256xf32>
    %iota3A_668 = tpu.iota {dimensions = array<i32: 1>} : vector<1x256xi32>
    %convert_element_type3A_669 = arith.sitofp %iota3A_668 : vector<1x256xi32> to vector<1x256xf32>
    %add3A_670 = arith.constant 1.280000e+03 : f32
    %add3A_671 = vector.broadcast %add3A_670 : f32 to vector<1x256xf32>
    %add3A_672 = arith.addf %convert_element_type3A_669, %add3A_671 : vector<1x256xf32>
    %lt3A_673 = vector.broadcast %add3A_672 : vector<1x256xf32> to vector<2048x256xf32>
    %lt3A_674 = arith.cmpf olt, %convert_element_type3A_243, %lt3A_673 : vector<2048x256xf32>
    %jit3A_675 = arith.constant 0.000000e+00 : f32
    %broadcast_in_dim3A_676 = vector.shape_cast %concatenate3A_592 : vector<2048x1xf32> to vector<2048x1xf32>
    %broadcast_in_dim3A_677 = vector.broadcast %broadcast_in_dim3A_676 : vector<2048x1xf32> to vector<2048x256xf32>
    %broadcast_in_dim3A_678 = vector.broadcast %jit3A_675 : f32 to vector<2048x256xf32>
    %select_n3A_679 = arith.select %lt3A_674, %broadcast_in_dim3A_677, %broadcast_in_dim3A_678 : vector<2048x256xi1>, vector<2048x256xf32>
    %reduce_sum3A_680 = arith.constant dense<0.000000e+00> : vector<256xf32>
    %reduce_sum3A_681 = vector.multi_reduction <add>, %select_n3A_679, %reduce_sum3A_680 [0] : vector<2048x256xf32> to vector<256xf32>
    %broadcast_in_dim3A_682 = vector.shape_cast %reduce_sum3A_681 : vector<256xf32> to vector<1x256xf32>
    %iota3A_683 = tpu.iota {dimensions = array<i32: 1>} : vector<1x256xi32>
    %convert_element_type3A_684 = arith.sitofp %iota3A_683 : vector<1x256xi32> to vector<1x256xf32>
    %add3A_685 = arith.constant 1.536000e+03 : f32
    %add3A_686 = vector.broadcast %add3A_685 : f32 to vector<1x256xf32>
    %add3A_687 = arith.addf %convert_element_type3A_684, %add3A_686 : vector<1x256xf32>
    %lt3A_688 = vector.broadcast %add3A_687 : vector<1x256xf32> to vector<2048x256xf32>
    %lt3A_689 = arith.cmpf olt, %convert_element_type3A_243, %lt3A_688 : vector<2048x256xf32>
    %jit3A_690 = arith.constant 0.000000e+00 : f32
    %broadcast_in_dim3A_691 = vector.shape_cast %concatenate3A_592 : vector<2048x1xf32> to vector<2048x1xf32>
    %broadcast_in_dim3A_692 = vector.broadcast %broadcast_in_dim3A_691 : vector<2048x1xf32> to vector<2048x256xf32>
    %broadcast_in_dim3A_693 = vector.broadcast %jit3A_690 : f32 to vector<2048x256xf32>
    %select_n3A_694 = arith.select %lt3A_689, %broadcast_in_dim3A_692, %broadcast_in_dim3A_693 : vector<2048x256xi1>, vector<2048x256xf32>
    %reduce_sum3A_695 = arith.constant dense<0.000000e+00> : vector<256xf32>
    %reduce_sum3A_696 = vector.multi_reduction <add>, %select_n3A_694, %reduce_sum3A_695 [0] : vector<2048x256xf32> to vector<256xf32>
    %broadcast_in_dim3A_697 = vector.shape_cast %reduce_sum3A_696 : vector<256xf32> to vector<1x256xf32>
    %iota3A_698 = tpu.iota {dimensions = array<i32: 1>} : vector<1x256xi32>
    %convert_element_type3A_699 = arith.sitofp %iota3A_698 : vector<1x256xi32> to vector<1x256xf32>
    %add3A_700 = arith.constant 1.792000e+03 : f32
    %add3A_701 = vector.broadcast %add3A_700 : f32 to vector<1x256xf32>
    %add3A_702 = arith.addf %convert_element_type3A_699, %add3A_701 : vector<1x256xf32>
    %lt3A_703 = vector.broadcast %add3A_702 : vector<1x256xf32> to vector<2048x256xf32>
    %lt3A_704 = arith.cmpf olt, %convert_element_type3A_243, %lt3A_703 : vector<2048x256xf32>
    %jit3A_705 = arith.constant 0.000000e+00 : f32
    %broadcast_in_dim3A_706 = vector.shape_cast %concatenate3A_592 : vector<2048x1xf32> to vector<2048x1xf32>
    %broadcast_in_dim3A_707 = vector.broadcast %broadcast_in_dim3A_706 : vector<2048x1xf32> to vector<2048x256xf32>
    %broadcast_in_dim3A_708 = vector.broadcast %jit3A_705 : f32 to vector<2048x256xf32>
    %select_n3A_709 = arith.select %lt3A_704, %broadcast_in_dim3A_707, %broadcast_in_dim3A_708 : vector<2048x256xi1>, vector<2048x256xf32>
    %reduce_sum3A_710 = arith.constant dense<0.000000e+00> : vector<256xf32>
    %reduce_sum3A_711 = vector.multi_reduction <add>, %select_n3A_709, %reduce_sum3A_710 [0] : vector<2048x256xf32> to vector<256xf32>
    %broadcast_in_dim3A_712 = vector.shape_cast %reduce_sum3A_711 : vector<256xf32> to vector<1x256xf32>
    %concatenate3A_713 = tpu.concatenate %broadcast_in_dim3A_607, %broadcast_in_dim3A_622, %broadcast_in_dim3A_637, %broadcast_in_dim3A_652, %broadcast_in_dim3A_667, %broadcast_in_dim3A_682, %broadcast_in_dim3A_697, %broadcast_in_dim3A_712 in 1 : vector<1x256xf32>, vector<1x256xf32>, vector<1x256xf32>, vector<1x256xf32>, vector<1x256xf32>, vector<1x256xf32>, vector<1x256xf32>, vector<1x256xf32> -> vector<1x2048xf32>
    %iota3A_714 = tpu.iota {dimensions = array<i32: 1>} : vector<1x64xi32>
    %convert_element_type3A_715 = arith.sitofp %iota3A_714 : vector<1x64xi32> to vector<1x64xf32>
    %eq3A_716 = vector.broadcast %broadcast_in_dim3A_17 : vector<2048x1xf32> to vector<2048x64xf32>
    %eq3A_717 = vector.broadcast %convert_element_type3A_715 : vector<1x64xf32> to vector<2048x64xf32>
    %eq3A_718 = arith.cmpf oeq, %eq3A_716, %eq3A_717 : vector<2048x64xf32>
    %jit3A_719 = arith.constant 1.000000e+00 : f32
    %jit3A_720 = arith.constant 0.000000e+00 : f32
    %broadcast_in_dim3A_721 = vector.broadcast %jit3A_719 : f32 to vector<2048x64xf32>
    %broadcast_in_dim3A_722 = vector.broadcast %jit3A_720 : f32 to vector<2048x64xf32>
    %select_n3A_723 = arith.select %eq3A_718, %broadcast_in_dim3A_721, %broadcast_in_dim3A_722 : vector<2048x64xi1>, vector<2048x64xf32>
    %reduce_sum3A_724 = arith.constant dense<0.000000e+00> : vector<64xf32>
    %reduce_sum3A_725 = vector.multi_reduction <add>, %select_n3A_723, %reduce_sum3A_724 [0] : vector<2048x64xf32> to vector<64xf32>
    %broadcast_in_dim3A_726 = vector.shape_cast %reduce_sum3A_725 : vector<64xf32> to vector<1x64xf32>
    %min3A = arith.constant 6.400000e+01 : f32
    %min3A_727 = vector.broadcast %min3A : f32 to vector<1x64xf32>
    %min3A_728 = arith.minimumf %broadcast_in_dim3A_726, %min3A_727 : vector<1x64xf32>
    %iota3A_729 = tpu.iota {dimensions = array<i32: 0>} : vector<64x64xi32>
    %add3A_730 = arith.constant 0 : i32
    %add3A_731 = vector.broadcast %add3A_730 : i32 to vector<64x64xi32>
    %add3A_732 = arith.addi %iota3A_729, %add3A_731 : vector<64x64xi32>
    %iota3A_733 = tpu.iota {dimensions = array<i32: 1>} : vector<64x64xi32>
    %eq3A_734 = arith.cmpi eq, %add3A_732, %iota3A_733 : vector<64x64xi32>
    %jit3A_735 = arith.constant 0.000000e+00 : f32
    %broadcast_in_dim3A_736 = vector.shape_cast %min3A_728 : vector<1x64xf32> to vector<1x64xf32>
    %broadcast_in_dim3A_737 = vector.broadcast %broadcast_in_dim3A_736 : vector<1x64xf32> to vector<64x64xf32>
    %broadcast_in_dim3A_738 = vector.broadcast %jit3A_735 : f32 to vector<64x64xf32>
    %select_n3A_739 = arith.select %eq3A_734, %broadcast_in_dim3A_737, %broadcast_in_dim3A_738 : vector<64x64xi1>, vector<64x64xf32>
    %reduce_sum3A_740 = arith.constant dense<0.000000e+00> : vector<64xf32>
    %reduce_sum3A_741 = vector.multi_reduction <add>, %select_n3A_739, %reduce_sum3A_740 [1] : vector<64x64xf32> to vector<64xf32>
    %broadcast_in_dim3A_742 = vector.shape_cast %reduce_sum3A_741 : vector<64xf32> to vector<64x1xf32>
    %iota3A_743 = tpu.iota {dimensions = array<i32: 0>} : vector<64x64xi32>
    %convert_element_type3A_744 = arith.sitofp %iota3A_743 : vector<64x64xi32> to vector<64x64xf32>
    %iota3A_745 = tpu.iota {dimensions = array<i32: 1>} : vector<64x64xi32>
    %convert_element_type3A_746 = arith.sitofp %iota3A_745 : vector<64x64xi32> to vector<64x64xf32>
    %sub3A_747 = arith.constant 6.400000e+01 : f32
    %sub3A_748 = vector.broadcast %sub3A_747 : f32 to vector<64x1xf32>
    %sub3A_749 = arith.subf %sub3A_748, %broadcast_in_dim3A_742 : vector<64x1xf32>
    %lt3A_750 = arith.cmpf olt, %convert_element_type3A_744, %convert_element_type3A_746 : vector<64x64xf32>
    %jit3A_751 = arith.constant 0.000000e+00 : f32
    %broadcast_in_dim3A_752 = vector.shape_cast %sub3A_749 : vector<64x1xf32> to vector<64x1xf32>
    %broadcast_in_dim3A_753 = vector.broadcast %broadcast_in_dim3A_752 : vector<64x1xf32> to vector<64x64xf32>
    %broadcast_in_dim3A_754 = vector.broadcast %jit3A_751 : f32 to vector<64x64xf32>
    %select_n3A_755 = arith.select %lt3A_750, %broadcast_in_dim3A_753, %broadcast_in_dim3A_754 : vector<64x64xi1>, vector<64x64xf32>
    %reduce_sum3A_756 = arith.constant dense<0.000000e+00> : vector<64xf32>
    %reduce_sum3A_757 = vector.multi_reduction <add>, %select_n3A_755, %reduce_sum3A_756 [0] : vector<64x64xf32> to vector<64xf32>
    %broadcast_in_dim3A_758 = vector.shape_cast %reduce_sum3A_757 : vector<64xf32> to vector<1x64xf32>
    %iota3A_759 = tpu.iota {dimensions = array<i32: 0>} : vector<64x1xi32>
    %convert_element_type3A_760 = arith.sitofp %iota3A_759 : vector<64x1xi32> to vector<64x1xf32>
    %iota3A_761 = tpu.iota {dimensions = array<i32: 0>} : vector<64x64xi32>
    %add3A_762 = arith.constant 0 : i32
    %add3A_763 = vector.broadcast %add3A_762 : i32 to vector<64x64xi32>
    %add3A_764 = arith.addi %iota3A_761, %add3A_763 : vector<64x64xi32>
    %iota3A_765 = tpu.iota {dimensions = array<i32: 1>} : vector<64x64xi32>
    %eq3A_766 = arith.cmpi eq, %add3A_764, %iota3A_765 : vector<64x64xi32>
    %jit3A_767 = arith.constant 0.000000e+00 : f32
    %broadcast_in_dim3A_768 = vector.shape_cast %broadcast_in_dim3A_758 : vector<1x64xf32> to vector<1x64xf32>
    %broadcast_in_dim3A_769 = vector.broadcast %broadcast_in_dim3A_768 : vector<1x64xf32> to vector<64x64xf32>
    %broadcast_in_dim3A_770 = vector.broadcast %jit3A_767 : f32 to vector<64x64xf32>
    %select_n3A_771 = arith.select %eq3A_766, %broadcast_in_dim3A_769, %broadcast_in_dim3A_770 : vector<64x64xi1>, vector<64x64xf32>
    %reduce_sum3A_772 = arith.constant dense<0.000000e+00> : vector<64xf32>
    %reduce_sum3A_773 = vector.multi_reduction <add>, %select_n3A_771, %reduce_sum3A_772 [1] : vector<64x64xf32> to vector<64xf32>
    %broadcast_in_dim3A_774 = vector.shape_cast %reduce_sum3A_773 : vector<64xf32> to vector<64x1xf32>
    %le3A = vector.broadcast %broadcast_in_dim3A_774 : vector<64x1xf32> to vector<64x2048xf32>
    %le3A_775 = vector.broadcast %concatenate3A_713 : vector<1x2048xf32> to vector<64x2048xf32>
    %le3A_776 = arith.cmpf ole, %le3A, %le3A_775 : vector<64x2048xf32>
    %add3A_777 = arith.addf %broadcast_in_dim3A_774, %sub3A_749 : vector<64x1xf32>
    %lt3A_778 = vector.broadcast %concatenate3A_713 : vector<1x2048xf32> to vector<64x2048xf32>
    %lt3A_779 = vector.broadcast %add3A_777 : vector<64x1xf32> to vector<64x2048xf32>
    %lt3A_780 = arith.cmpf olt, %lt3A_778, %lt3A_779 : vector<64x2048xf32>
    %and3A_781 = arith.andi %le3A_776, %lt3A_780 : vector<64x2048xi1>
    %mul3A = arith.constant 6.400000e+01 : f32
    %mul3A_782 = vector.broadcast %mul3A : f32 to vector<64x1xf32>
    %mul3A_783 = arith.mulf %convert_element_type3A_760, %mul3A_782 : vector<64x1xf32>
    %add3A_784 = arith.addf %mul3A_783, %broadcast_in_dim3A_742 : vector<64x1xf32>
    %sub3A_785 = arith.subf %add3A_784, %broadcast_in_dim3A_774 : vector<64x1xf32>
    %jit3A_786 = arith.constant 0.000000e+00 : f32
    %broadcast_in_dim3A_787 = vector.shape_cast %sub3A_785 : vector<64x1xf32> to vector<64x1xf32>
    %broadcast_in_dim3A_788 = vector.broadcast %broadcast_in_dim3A_787 : vector<64x1xf32> to vector<64x2048xf32>
    %broadcast_in_dim3A_789 = vector.broadcast %jit3A_786 : f32 to vector<64x2048xf32>
    %select_n3A_790 = arith.select %and3A_781, %broadcast_in_dim3A_788, %broadcast_in_dim3A_789 : vector<64x2048xi1>, vector<64x2048xf32>
    %reduce_sum3A_791 = arith.constant dense<0.000000e+00> : vector<2048xf32>
    %reduce_sum3A_792 = vector.multi_reduction <add>, %select_n3A_790, %reduce_sum3A_791 [0] : vector<64x2048xf32> to vector<2048xf32>
    %broadcast_in_dim3A_793 = vector.shape_cast %reduce_sum3A_792 : vector<2048xf32> to vector<1x2048xf32>
    %add3A_794 = arith.addf %broadcast_in_dim3A_793, %concatenate3A_713 : vector<1x2048xf32>
    %mul3A_795 = arith.constant 6.400000e+01 : f32
    %mul3A_796 = vector.broadcast %mul3A_795 : f32 to vector<1x2048xf32>
    %mul3A_797 = arith.mulf %concatenate3A_241, %mul3A_796 : vector<1x2048xf32>
    %add3A_798 = arith.addf %mul3A_797, %concatenate3A_471 : vector<1x2048xf32>
    %select_n3A_799 = arith.select %lt3A_474, %add3A_798, %add3A_794 : vector<1x2048xi1>, vector<1x2048xf32>
    %jit3A_800 = arith.constant 0.000000e+00 : f32
    %jit3A_801 = arith.constant 4.095000e+03 : f32
    %max3A = vector.broadcast %jit3A_800 : f32 to vector<1x2048xf32>
    %max3A_802 = arith.maximumf %max3A, %select_n3A_799 : vector<1x2048xf32>
    %min3A_803 = vector.broadcast %jit3A_801 : f32 to vector<1x2048xf32>
    %min3A_804 = arith.minimumf %min3A_803, %max3A_802 : vector<1x2048xf32>
    %convert_element_type3A_805 = arith.fptosi %min3A_804 : vector<1x2048xf32> to vector<1x2048xi32>
    %swap3A = arith.constant 0 : index
    %swap3A_806 = arith.constant 0 : index
    %swap3A_807 = vector.load %arg2[%swap3A, %swap3A_806] : memref<1x2048xi32, #tpu.memory_space<vmem>>, vector<1x2048xi32>
    tpu.vector_store %arg2[%swap3A, %swap3A_806], %convert_element_type3A_805 {strides = array<i32>} : memref<1x2048xi32, #tpu.memory_space<vmem>>, vector<1x2048xi32>,
    %jit3A_808 = arith.constant 0.000000e+00 : f32
    %broadcast_in_dim3A_809 = vector.broadcast %jit3A_808 : f32 to vector<1x2048xf32>
    %select_n3A_810 = arith.select %lt3A_474, %concatenate3A, %broadcast_in_dim3A_809 : vector<1x2048xi1>, vector<1x2048xf32>
    %swap3A_811 = arith.constant 0 : index
    %swap3A_812 = arith.constant 0 : index
    %swap3A_813 = vector.load %arg3[%swap3A_811, %swap3A_812] : memref<1x2048xf32, #tpu.memory_space<vmem>>, vector<1x2048xf32>
    tpu.vector_store %arg3[%swap3A_811, %swap3A_812], %select_n3A_810 {strides = array<i32>} : memref<1x2048xf32, #tpu.memory_space<vmem>>, vector<1x2048xf32>,
    return
  }
}

module attributes {stable_mosaic.version = 14 : i64} {
  func.func @_ffn_body(%arg0: i32, %arg1: memref<1x64x768xf32, #tpu.memory_space<vmem>>, %arg2: memref<1x768x1536xf32, #tpu.memory_space<vmem>>, %arg3: memref<1x1x1536xf32, #tpu.memory_space<vmem>>, %arg4: memref<1x1536x768xf32, #tpu.memory_space<vmem>>, %arg5: memref<1x1x768xf32, #tpu.memory_space<vmem>>, %arg6: memref<1x64x1xf32, #tpu.memory_space<vmem>>, %arg7: memref<1x64x768xf32, #tpu.memory_space<vmem>>) attributes {dimension_semantics = [#tpu.dimension_semantics<arbitrary>], iteration_bounds = array<i64: 64>, scalar_prefetch = 0 : i64, scratch_operands = 0 : i64, tpu.core_type = #tpu.core_type<tc>, window_params = [{transform_indices = @transform_0, window_bounds = array<i64: 1, 64, 768>}, {transform_indices = @transform_1, window_bounds = array<i64: 1, 768, 1536>}, {transform_indices = @transform_2, window_bounds = array<i64: 1, 1, 1536>}, {transform_indices = @transform_3, window_bounds = array<i64: 1, 1536, 768>}, {transform_indices = @transform_4, window_bounds = array<i64: 1, 1, 768>}, {transform_indices = @transform_5, window_bounds = array<i64: 1, 64, 1>}, {transform_indices = @transform_6, window_bounds = array<i64: 1, 64, 768>}]} {
    %get3A = arith.constant 0 : index
    %get3A_0 = arith.constant 0 : index
    %get3A_1 = arith.constant 0 : index
    %get3A_2 = vector.load %arg1[%get3A, %get3A_0, %get3A_1] : memref<1x64x768xf32, #tpu.memory_space<vmem>>, vector<1x64x768xf32>
    %get3A_3 = vector.shape_cast %get3A_2 : vector<1x64x768xf32> to vector<64x768xf32>
    %get3A_4 = arith.constant 0 : index
    %get3A_5 = arith.constant 0 : index
    %get3A_6 = arith.constant 0 : index
    %get3A_7 = vector.load %arg2[%get3A_4, %get3A_5, %get3A_6] : memref<1x768x1536xf32, #tpu.memory_space<vmem>>, vector<1x768x1536xf32>
    %get3A_8 = vector.shape_cast %get3A_7 : vector<1x768x1536xf32> to vector<768x1536xf32>
    %dot_general3A = arith.constant dense<0.000000e+00> : vector<64x1536xf32>
    %dot_general3A_9 = tpu.matmul %get3A_3, %get3A_8, %dot_general3A {dimension_numbers = #tpu.dot_dimension_numbers<[1], [0], [0], [1], [0, 0, 1, 1], [], []>, transpose_lhs_hint = false} : vector<64x768xf32>, vector<768x1536xf32>, vector<64x1536xf32> -> vector<64x1536xf32>
    %get3A_10 = arith.constant 0 : index
    %get3A_11 = arith.constant 0 : index
    %get3A_12 = arith.constant 0 : index
    %get3A_13 = vector.load %arg3[%get3A_10, %get3A_11, %get3A_12] : memref<1x1x1536xf32, #tpu.memory_space<vmem>>, vector<1x1x1536xf32>
    %get3A_14 = vector.shape_cast %get3A_13 : vector<1x1x1536xf32> to vector<1x1536xf32>
    %add3A = vector.broadcast %get3A_14 : vector<1x1536xf32> to vector<64x1536xf32>
    %add3A_15 = arith.addf %dot_general3A_9, %add3A : vector<64x1536xf32>
    %max3A = arith.constant 0.000000e+00 : f32
    %max3A_16 = vector.broadcast %max3A : f32 to vector<64x1536xf32>
    %max3A_17 = arith.maximumf %add3A_15, %max3A_16 : vector<64x1536xf32>
    %get3A_18 = arith.constant 0 : index
    %get3A_19 = arith.constant 0 : index
    %get3A_20 = arith.constant 0 : index
    %get3A_21 = vector.load %arg4[%get3A_18, %get3A_19, %get3A_20] : memref<1x1536x768xf32, #tpu.memory_space<vmem>>, vector<1x1536x768xf32>
    %get3A_22 = vector.shape_cast %get3A_21 : vector<1x1536x768xf32> to vector<1536x768xf32>
    %dot_general3A_23 = arith.constant dense<0.000000e+00> : vector<64x768xf32>
    %dot_general3A_24 = tpu.matmul %max3A_17, %get3A_22, %dot_general3A_23 {dimension_numbers = #tpu.dot_dimension_numbers<[1], [0], [0], [1], [0, 0, 1, 1], [], []>, transpose_lhs_hint = false} : vector<64x1536xf32>, vector<1536x768xf32>, vector<64x768xf32> -> vector<64x768xf32>
    %get3A_25 = arith.constant 0 : index
    %get3A_26 = arith.constant 0 : index
    %get3A_27 = arith.constant 0 : index
    %get3A_28 = vector.load %arg5[%get3A_25, %get3A_26, %get3A_27] : memref<1x1x768xf32, #tpu.memory_space<vmem>>, vector<1x1x768xf32>
    %get3A_29 = vector.shape_cast %get3A_28 : vector<1x1x768xf32> to vector<1x768xf32>
    %add3A_30 = vector.broadcast %get3A_29 : vector<1x768xf32> to vector<64x768xf32>
    %add3A_31 = arith.addf %dot_general3A_24, %add3A_30 : vector<64x768xf32>
    %get3A_32 = arith.constant 0 : index
    %get3A_33 = arith.constant 0 : index
    %get3A_34 = arith.constant 0 : index
    %get3A_35 = vector.load %arg6[%get3A_32, %get3A_33, %get3A_34] : memref<1x64x1xf32, #tpu.memory_space<vmem>>, vector<1x64x1xf32>
    %get3A_36 = vector.shape_cast %get3A_35 : vector<1x64x1xf32> to vector<64x1xf32>
    %mul3A = vector.broadcast %get3A_36 : vector<64x1xf32> to vector<64x768xf32>
    %mul3A_37 = arith.mulf %mul3A, %add3A_31 : vector<64x768xf32>
    %add3A_38 = arith.addf %get3A_3, %mul3A_37 : vector<64x768xf32>
    %swap3A = arith.constant 0 : index
    %swap3A_39 = arith.constant 0 : index
    %swap3A_40 = arith.constant 0 : index
    %swap3A_41 = vector.load %arg7[%swap3A, %swap3A_39, %swap3A_40] : memref<1x64x768xf32, #tpu.memory_space<vmem>>, vector<1x64x768xf32>
    %swap3A_42 = vector.shape_cast %swap3A_41 : vector<1x64x768xf32> to vector<64x768xf32>
    %swap3A_43 = vector.shape_cast %add3A_38 : vector<64x768xf32> to vector<1x64x768xf32>
    tpu.vector_store %arg7[%swap3A, %swap3A_39, %swap3A_40], %swap3A_43 {strides = array<i32>} : memref<1x64x768xf32, #tpu.memory_space<vmem>>, vector<1x64x768xf32>,
    return
  }
  func.func @transform_0(%arg0: i32) -> (i32, i32, i32) {
    %c0_i32 = arith.constant 0 : i32
    %c0_i32_0 = arith.constant 0 : i32
    %c0_i32_1 = arith.constant 0 : i32
    return %arg0, %c0_i32, %c0_i32_0 : i32, i32, i32
  }
  func.func @transform_1(%arg0: i32) -> (i32, i32, i32) {
    %c0_i32 = arith.constant 0 : i32
    %c0_i32_0 = arith.constant 0 : i32
    %c0_i32_1 = arith.constant 0 : i32
    return %arg0, %c0_i32, %c0_i32_0 : i32, i32, i32
  }
  func.func @transform_2(%arg0: i32) -> (i32, i32, i32) {
    %c0_i32 = arith.constant 0 : i32
    %c0_i32_0 = arith.constant 0 : i32
    %c0_i32_1 = arith.constant 0 : i32
    return %arg0, %c0_i32, %c0_i32_0 : i32, i32, i32
  }
  func.func @transform_3(%arg0: i32) -> (i32, i32, i32) {
    %c0_i32 = arith.constant 0 : i32
    %c0_i32_0 = arith.constant 0 : i32
    %c0_i32_1 = arith.constant 0 : i32
    return %arg0, %c0_i32, %c0_i32_0 : i32, i32, i32
  }
  func.func @transform_4(%arg0: i32) -> (i32, i32, i32) {
    %c0_i32 = arith.constant 0 : i32
    %c0_i32_0 = arith.constant 0 : i32
    %c0_i32_1 = arith.constant 0 : i32
    return %arg0, %c0_i32, %c0_i32_0 : i32, i32, i32
  }
  func.func @transform_5(%arg0: i32) -> (i32, i32, i32) {
    %c0_i32 = arith.constant 0 : i32
    %c0_i32_0 = arith.constant 0 : i32
    %c0_i32_1 = arith.constant 0 : i32
    return %arg0, %c0_i32, %c0_i32_0 : i32, i32, i32
  }
  func.func @transform_6(%arg0: i32) -> (i32, i32, i32) {
    %c0_i32 = arith.constant 0 : i32
    %c0_i32_0 = arith.constant 0 : i32
    %c0_i32_1 = arith.constant 0 : i32
    return %arg0, %c0_i32, %c0_i32_0 : i32, i32, i32
  }
}

</mosaic_0001>

<sc_bundles>
// kernel: kernel.6.cloned.1.call-start
scs
__scs_entry_jumppad:
0x0: {  	(pc) =	sbr.rel $0x88, $3  }
0x1: {  	(tag) =	ssettag $0x0;
	lr =	simm.s32 $0x1  }
0x2: {  	[smem:$0x3F9B] =	sst lr;
	_ =	strace $0xD0000000  }
0x3: {  	_ = 	snop  }
0x4: {  	_ = 	snop  }
0x5: {  	_ = 	snop  }
0x6: {  	_ = 	snop  }
0x7: {  	_ = 	snop  }
__scs_overlays_trampoline_lowered:
0x8: {  	[smem:$0x3FAA] =	sst s0  }
0x9: {  	[smem:$0x3FAB] =	sst s1  }
0xa: {  	[smem:$0x3FAC] =	sst s2  }
0xb: {  	[smem:$0x3FAD] =	sst s3  }
0xc: {  	[smem:$0x3FAE] =	sst s4  }
0xd: {  	[smem:$0x3FAF] =	sst s5  }
0xe: {  	[smem:$0x3FB0] =	sst s6  }
0xf: {  	[smem:$0x3FB1] =	sst s7  }
0x10: {  	[smem:$0x3FB2] =	sst s8  }
0x11: {  	[smem:$0x3FB3] =	sst s9;
	s0 =	simm.s32 @!p0 $0x0  }
0x12: {  	s1 =	sld [smem:$0x3F99];
	s0 =	simm.s32 @p0 $0x1  }
0x13: {  	[smem:$0x3FB4] =	sst s0;
	s0 =	simm.s32 @!p1 $0x0  }
0x14: {  	s2 =	sld [smem:$0x3F98];
	s0 =	simm.s32 @p1 $0x1  }
0x15: {  	[smem:$0x3FB5] =	sst s0;
	s0 =	simm.s32 @!p2 $0x0  }
0x16: {  	s3 =	sld [smem:$0x3FDB];
	s0 =	simm.s32 @p2 $0x1  }
0x17: {  	s4 =	simm.s32 $0x1BF5;
	[smem:$0x3FB7] =	sst s0  }
0x18: {  	s0 =	sld [smem:$0x3F9A];
	_ =	swait.ge [sflag:s4], $0x0  }
0x19: {  	s7 =	sld [smem:$0x3F9B]  }
0x1a: {  	s8 =	sadd.s32 $0xFFFFE003, lr  }
0x1b: {  	s9 =	sadd.s32 $0xFFFFFEF7, lr;
	s5 =	simm.s32 $0xFFFFFFFF;
	p2 =	slt.u32 s8, $0xFFFFF086  }
0x1c: {  	p1 =	slt.u32 s9, $0xF7A;
	s5 =	simm.s32 @!p2 $0x0  }
0x1d: {  	s5 =	simm.s32 @p1 $0x1;
	p0 =	seq.s32 s7, s2  }
0x1e: {  	s7 =	smul.u32 @!p0 $0xF7A, s2;
	p2 =	seq.s32 @!p0 s5, $0x0  }
0x1f: {  	s9 =	smul.u32 $0xF7A, s1;
	s8 =	simm.s32 @!p0 $0x1BF5;
	p2 =	por !p2, p0  }
0x20: {  	[sflag:s8] =	ssyncset.s32 @!p0 $0xFFFFF086;
	s6 =	sadd.s32 @!p0 s3, s7;
	s7 =	simm.s32 @!p0 $0x108  }
0x21: {  	s3 =	sadd.s32 s3, s9;
	s6 =	sadd.s32 @!p0 $0x88, s6;
	s7 =	simm.s32 @p2 $0x1082  }
0x22: {  	[simem:s7], [sflag:s8] =	dma.local @!p0 [hbm:s6], $0xF7A  }
0x23: {  	s9 =	sor.u32 $0xD0000000, s2;
	s6 =	simm.s32 $0x108;
	_ =	swait.ge @!p0 [sflag:s8], $0x0  }
0x24: {  	s3 =	sadd.s32 $0x88, s3;
	s6 =	simm.s32 @!p1 $0x1082;
	[sflag:s4] =	ssyncset.s32 $0xFFFFF086  }
0x25: {  	[simem:s6], [sflag:s4] =	dma.local [hbm:s3], $0xF7A  }
0x26: {  	[smem:$0x3F9B] =	sst s1;
	(tag) =	ssettag s2;
	_ =	strace s9  }
0x27: {  	s1 =	sld [smem:$0x3FAB]  }
0x28: {  	s2 =	sld [smem:$0x3FAC]  }
0x29: {  	s4 =	sld [smem:$0x3FAE]  }
0x2a: {  	p0 =	seq.s32 s5, $0x0;
	s5 =	sld [smem:$0x3FAF]  }
0x2b: {  	s6 =	sld [smem:$0x3FB0]  }
0x2c: {  	s7 =	sld [smem:$0x3FB1]  }
0x2d: {  	s3 =	simm.s32 $0x108;
	s8 =	sld [smem:$0x3FB2]  }
0x2e: {  	s3 =	simm.s32 @!p0 $0x1082;
	s9 =	sld [smem:$0x3FB3]  }
0x2f: {  	lr =	sadd.s32 s0, s3;
	s0 =	sld [smem:$0x3FAA]  }
0x30: {  	s3 =	sld [smem:$0x3FAD]  }
0x31: {  	[smem:$0x3FB6] =	sst s10  }
0x32: {  	s10 =	sld [smem:$0x3FB4];
	_ =	sdelay $0x3  }
0x33: {  	p0 =	seq.s32 s10, $0x1;
	s10 =	sld [smem:$0x3FB6];
	_ =	sdelay $0x3  }
0x34: {  	[smem:$0x3FB6] =	sst s10  }
0x35: {  	s10 =	sld [smem:$0x3FB5];
	_ =	sdelay $0x3  }
0x36: {  	p1 =	seq.s32 s10, $0x1;
	s10 =	sld [smem:$0x3FB6];
	_ =	sdelay $0x3  }
0x37: {  	[smem:$0x3FB6] =	sst s10  }
0x38: {  	s10 =	sld [smem:$0x3FB7]  }
0x39: {  	_ = 	snop;
	(pc) =	sbr.ind lr, $3  }
0x3a: {  	_ = 	snop  }
0x3b: {  	_ = 	snop  }
0x3c: {  	p2 =	seq.s32 s10, $0x1;
	s10 =	sld [smem:$0x3FB6]  }
0x3d: {  	_ =	shalt  }
0x3e: {  	_ =	shalt  }
0x3f: {  	_ =	shalt  }
0x40: {  	_ =	shalt  }
0x41: {  	_ =	shalt  }
0x42: {  	_ =	shalt  }
0x43: {  	_ =	shalt  }
0x44: {  	_ =	shalt  }
0x45: {  	_ =	shalt  }
0x46: {  	_ =	shalt  }
0x47: {  	_ =	shalt  }
0x48: {  	_ =	shalt  }
0x49: {  	_ =	shalt  }
0x4a: {  	_ =	shalt  }
0x4b: {  	_ =	shalt  }
0x4c: {  	_ =	shalt  }
0x4d: {  	_ =	shalt  }
0x4e: {  	_ =	shalt  }
0x4f: {  	_ =	shalt  }
0x50: {  	_ =	shalt  }
0x51: {  	_ =	shalt  }
0x52: {  	_ =	shalt  }
0x53: {  	_ =	shalt  }
0x54: {  	_ =	shalt  }
0x55: {  	_ =	shalt  }
0x56: {  	_ =	shalt  }
0x57: {  	_ =	shalt  }
0x58: {  	_ =	shalt  }
0x59: {  	_ =	shalt  }
0x5a: {  	_ =	shalt  }
0x5b: {  	_ =	shalt  }
0x5c: {  	_ =	shalt  }
0x5d: {  	_ =	shalt  }
0x5e: {  	_ =	shalt  }
0x5f: {  	_ =	shalt  }
0x60: {  	_ =	shalt  }
0x61: {  	_ =	shalt  }
0x62: {  	_ =	shalt  }
0x63: {  	_ =	shalt  }
0x64: {  	_ =	shalt  }
0x65: {  	_ =	shalt  }
0x66: {  	_ =	shalt  }
0x67: {  	_ =	shalt  }
0x68: {  	_ =	shalt  }
0x69: {  	_ =	shalt  }
0x6a: {  	_ =	shalt  }
0x6b: {  	_ =	shalt  }
0x6c: {  	_ =	shalt  }
0x6d: {  	_ =	shalt  }
0x6e: {  	_ =	shalt  }
0x6f: {  	_ =	shalt  }
0x70: {  	_ =	shalt  }
0x71: {  	_ =	shalt  }
0x72: {  	_ =	shalt  }
0x73: {  	_ =	shalt  }
0x74: {  	_ =	shalt  }
0x75: {  	_ =	shalt  }
0x76: {  	_ =	shalt  }
0x77: {  	_ =	shalt  }
0x78: {  	_ =	shalt  }
0x79: {  	_ =	shalt  }
0x7a: {  	_ =	shalt  }
0x7b: {  	_ =	shalt  }
0x7c: {  	_ =	shalt  }
0x7d: {  	_ =	shalt  }
0x7e: {  	_ =	shalt  }
0x7f: {  	_ =	shalt  }
0x80: {  	_ =	shalt  }
0x81: {  	_ =	shalt  }
0x82: {  	_ =	shalt  }
0x83: {  	_ =	shalt  }
0x84: {  	_ =	shalt  }
0x85: {  	_ =	shalt  }
0x86: {  	_ =	shalt  }
0x87: {  	_ =	shalt  }
.Lfunc_end0:
.L_simem_size_0:
called_computation_lowered:
.L_overlay_start_0:
0x88: {  	s2 =	sld [smem:$0x3FD9]  }
0x89: {  	s3 =	sld [smem:$0x3FFE];
	_ =	sdelay $0x1  }
0x8a: {  	s1 =	srdreg.scid  }
0x8b: {  	s0 =	sand.u32 $0x1, s1  }
0x8c: {  	s17 =	sshll.u32 s0, $0xA;
	s2 =	sadd.s32 s3, s2  }
0x8d: {  	s2 =	sadd.s32 s2, s17  }
0x8e: {  	[smem:$0x3FC2] =	sst s2  }
0x8f: {  	_ = 	snop  }
0x90: {  	s2 =	sld [smem:$0x3FC9]  }
0x91: {  	s18 =	sld [smem:$0x3FD0];
	(tm) =	ssettm $0x1  }
0x92: {  	s4 =	sld [smem:$0x3FFB];
	_ =	sdelay $0x3  }
0x93: {  	_ =	strace s4  }
0x94: {  	s4 =	sld [smem:$0x3FFC];
	_ =	sdelay $0x3  }
0x95: {  	_ =	strace s4  }
0x96: {  	s4 =	sld [smem:$0x3FFD];
	_ =	sdelay $0x3  }
0x97: {  	_ =	strace s4  }
0x98: {  	_ =	strace $0x8FFFFFFF  }
0x99: {  	s19 =	sld [smem:$0x3FDB];
	_ =	sdelay $0x1  }
0x9a: {  	s5 =	simm.s32 $_scs_section_size  }
0x9b: {  	s6 =	simm.s32 $_size__tile_overlayer_lowered;
	s7 =	simm.s32 $_tile_overlayer_lowered  }
0x9c: {  	s22 =	simm.s32 $0x1BFF;
	s21 =	sshll.u32 s7, $0x1;
	s4 =	sadd.s32 s5, s19  }
0x9d: {  	s8 =	simm.s32 $0x0;
	s20 =	sshll.u32 s6, $0x1;
	s6 =	sadd.s32 s21, s4  }
0x9e: {  	[timem:s8], [sflag:s22] =	dma.local [hbm:s6], s20  }
0x9f: {  	_ =	swait.ge [sflag:s22], s20  }
0xa0: {  	s5 =	ssub.s32 $0x0, s20;
	[sflag:s22] =	ssyncset.done $0x0  }
0xa1: {  	[sflag:s22] =	ssyncadd.s32 s5;
	_ =	sdelay $0x1  }
0xa2: {  	s23 =	simm.s32 $0x1B8B  }
0xa3: {  	_ =	swait.ge [sflag:s23], $0x1  }
0xa4: {  	[sflag:s23] =	ssyncset.done $0x0  }
0xa5: {  	s25 =	simm.s32 $0x1B8E;
	s24 =	sld [smem:$0x3FFE];
	[sflag:s23] =	ssyncadd.s32 $0xFFFFFFFF  }
0xa6: {  	s26 =	simm.s32 $execute0_lowered;
	[smem:$0x3FD2] =	sst s25  }
0xa7: {  	s6 =	sshll.u32 s26, $0x1;
	_ =	strace $0x80000046;
	[dreg:$0x1] =	wrdreg $0xFFFFFFFF  }
0xa8: {  	s28 =	simm.s32 $_size_execute0_lowered;
	s4 =	sadd.s32 s4, s6;
	[dreg:$0x0] =	wrdreg $0x0  }
0xa9: {  	s6 =	sshll.u32 s28, $0x1;
	[dreg:$0x2] =	wrdreg s4  }
0xaa: {  	[dreg:$0x3] =	wrdreg s6  }
0xab: {  	[dreg:$0x4] =	wrdreg $0xC0  }
0xac: {  	_ =	task [dreg:s8], $0x5FFFF  }
0xad: {  	[dreg:$0x1] =	wrdreg $0xFFFFFFFF  }
0xae: {  	[dreg:$0x0] =	wrdreg $0x60  }
0xaf: {  	[dreg:$0x2] =	wrdreg s2  }
0xb0: {  	[dreg:$0x3] =	wrdreg s24  }
0xb1: {  	[dreg:$0x4] =	wrdreg s18  }
0xb2: {  	[dreg:$0x5] =	wrdreg $0x9  }
0xb3: {  	_ =	task.clear_ibuf [dreg:s8], $0x6FFFF;
	_ =	strace $0x90000046  }
0xb4: {  	s29 =	simm.s32 $0x9;
	_ =	strace $0x80000048  }
0xb5: {  	_ =	swait.ge [sflag:s29], $0x1  }
0xb6: {  	[sflag:s29] =	ssyncadd.s32 $0xFFFFFFFF  }
0xb7: {  	_ =	strace $0x90000048  }
0xb8: {  	_ =	sfence  }
0xb9: {  	s30 =	sld [smem:$0x0];
	_ =	sdelay $0x2  }
0xba: {  	s31 =	sshll.u32 s1, $0xD;
	s1 =	sshrl.u32 s1, $0x2  }
0xbb: {  	s3 =	sand.u32 $0x4000, s31;
	s1 =	sadd.s32 s1, s30  }
0xbc: {  	s0 =	sor.u32 s3, s0;
	s1 =	sshll.u32 s1, $0x11  }
0xbd: {  	s0 =	sor.u32 s1, s0  }
0xbe: {  	s0 =	sadd.s32 $0x8F2B, s0  }
0xbf: {  	[sflag:s0] =	ssyncadd.remote.s32 $0x1  }
0xc0: {  	_ =	sfence.sel $0xFFFF  }
0xc1: {  	[dreg:$0x0] =	wrdreg $0xFFFFFFFF;
	(pc) =	sbr.abs _section_cstart, $3  }
0xc2: {  	[dreg:$0x1] =	wrdreg $0xFFFFFFFF  }
0xc3: {  	_ =	task.clear_ibuf [dreg:s8], $0x2FFFF;
	_ =	strace $0x9FFFFFFF  }
0xc4: {  	(tm) =	ssettm $0x7FFFFFFF  }
0xc5: {  	_ =	shalt  }
tec
execute0_lowered:
.L_overlay_start_1:
0x0: {  	(tag) =	ssettag $0x1  }
0x1: {  	s1 =	rddreg [dreg:$0x0]  }
0x2: {  	s5 =	rddreg [dreg:$0x1]  }
0x3: {  	s2 =	srdreg.scid;
	s0 =	stileid.u32  }
0x4: {  	s3 =	rddreg [dreg:$0x2];
	s23 =	simm.s32 $0x40;
	s24 =	simm.s32 $0x880  }
0x5: {  	s25 =	simm.s32 $0x1080;
	s26 =	simm.s32 $0x1880;
	s11 =	simm.s32 $0x2880  }
0x6: {  	s12 =	simm.s32 $0x3080;
	s13 =	simm.s32 $0x3880;
	s14 =	simm.s32 $0x4080  }
0x7: {  	s15 =	simm.s32 $0x4880;
	s16 =	simm.s32 $0x5080;
	s17 =	simm.s32 $0x5880  }
0x8: {  	s18 =	simm.s32 $0x6080;
	s19 =	simm.s32 $0x6880;
	s20 =	simm.s32 $0x7080  }
0x9: {  	s28 =	simm.s32 $0xA880;
	s4 =	sand.u32 $0x1, s2;
	s2 =	simm.s32 $0x0  }
0xa: {  	s29 =	simm.s32 $0xB080;
	s9 =	sadd.s32 $0xE00, s5;
	[smem:$0x7FF] =	sst s2  }
0xb: {  	s30 =	simm.s32 $0xB880;
	_ =	strace $0x80000047;
	[dreg:$0x4] =	wrdreg s9  }
0xc: {  	s31 =	simm.s32 $0x1;
	s6 =	sshll.u32 s0, $0x1;
	[dreg:$0x8] =	wrdreg s23  }
0xd: {  	s6 =	sor.u32 s4, s6;
	s4 =	ssub.s32 $0x2, s4;
	[dreg:$0x9] =	wrdreg s24  }
0xe: {  	s7 =	sshll.u32 s6, $0x4;
	s6 =	smul.u32 $0x1800, s6;
	[dreg:$0xa] =	wrdreg s25  }
0xf: {  	s21 =	sshrl.u32 s4, $0x1;
	s9 =	simm.s32 $0x80;
	[dreg:$0xb] =	wrdreg s26  }
0x10: {  	s23 =	simm.s32 $0x8880;
	s24 =	simm.s32 $0x9080;
	s25 =	simm.s32 $0x9880  }
0x11: {  	s26 =	simm.s32 $0xA080;
	s8 =	sadd.s32 s7, s5;
	s3 =	sadd.s32 s3, s7  }
0x12: {  	s22 =	ssub.s32 s4, s21;
	s4 =	sadd.s32 $0x1100, s5;
	s7 =	simm.s32 $0x3  }
0x13: {  	s21 =	simm.s32 $0x7880;
	s8 =	sadd.s32 $0xC00, s8;
	[dreg:$0x6] =	wrdreg s3  }
0x14: {  	v2 =	vlaneseq.u32;
	s1 =	sadd.s32 s1, s6;
	s3 =	sadd.s32 $0x1000, s5;
	s5 =	sadd.s32 $0x1200, s5  }
0x15: {  	vm0 =	vmmov $0xffff;
	v1 =	vshrl.u32 v2, $0x3;
	s6 =	smax.u32 s22, $0x1;
	s22 =	simm.s32 $0x8080;
	[dreg:$0x5] =	wrdreg s8  }
0x16: {  	v0 =	vand.u32 $0x7, v2;
	v2 =	vor.u32 $0x8, v2;
	v1 =	vmul.u32 $0x8, v1;
	[dreg:$0x7] =	wrdreg s1;
	s8 =	simm.s32 $0xC080;
	s1 =	simm.s32 $0x2  }
.LBB2_1:
0x17: {  	s0 =	rddreg [dreg:$0x5]  }
0x18: {  	[tilespmem:s2], [sflag:$0x3] =	stream.linear.gather [hbm4b:s0+s2], $0x80, $0x38;
	[tilespmem:$0xC100] =	vst v63  }
0x19: {  	_ =	swait.ge [sflag:s7], $0x80  }
0x1a: {  	[sflag:s7] =	ssyncset.done $0x0  }
0x1b: {  	s10 =	rddreg [dreg:$0x6];
	[sflag:s7] =	ssyncadd.s32 $0xFFFFFF80  }
0x1c: {  	[tilespmem:s8], [sflag:$0x3] =	stream.linear.gather [hbm4b:s10+s2], $0x80, $0x38;
	[tilespmem:$0xC100] =	vst v63  }
0x1d: {  	_ =	swait.ge [sflag:s7], $0x80  }
0x1e: {  	[sflag:s7] =	ssyncset.done $0x0  }
0x1f: {  	s10 =	rddreg [dreg:$0x7];
	[sflag:s7] =	ssyncadd.s32 $0xFFFFFF80  }
0x20: {  	[tilespmem:s9], [sflag:$0x3] =	stream.linear.gather [hbm4b:s10+s2], $0xC000, $0x38;
	[tilespmem:$0xC100] =	vst v63  }
0x21: {  	_ =	swait.ge [sflag:s7], $0xC000  }
0x22: {  	s0 =	rddreg [dreg:$0x4];
	[sflag:s7] =	ssyncset.done $0x0  }
0x23: {  	s10 =	rddreg [dreg:$0x8];
	[sflag:s7] =	ssyncadd.s32 $0xFFFF4000  }
0x24: {  	[hbm4b:s0+s10] =	stream.indirect.scatter [tilespmem:s8], [sflag:$0x2], $0x1, s2, s10, $0xb8;
	[tilespmem:$0xC100] =	vst v63  }
0x25: {  	v3 =	vld [tilespmem:$0x0];
	_ =	sdelay $0x4  }
0x26: {  	v4 =	vshrl.u32 v3, $0x3  }
0x27: {  	v4 =	vmul.u32 $0x30, v4  }
0x28: {  	v3 =	vand.u32 $0x7, v3  }
0x29: {  	v3 =	vor.u32 v3, v4  }
0x2a: {  	v4 =	vperm.xlane v3, v0;
	_ =	sdelay $0x1  }
0x2b: {  	v4 =	vadd.s32 v1, v4;
	_ =	sdelay $0x3  }
0x2c: {  	v3 =	vperm.xlane v3, v2  }
0x2d: {  	[hbm4b:s3+s2] =	stream.indirect_vreg.scatter [tilespmem:s9], [sflag:$0x1], $0x80, v4, vm0, $0xb8;
	[tilespmem:$0xC100] =	vst v63  }
0x2e: {  	s0 =	rddreg [dreg:$0x9];
	v3 =	vadd.s32 v1, v3  }
0x2f: {  	[hbm4b:s4+s2] =	stream.indirect_vreg.scatter [tilespmem:s0], [sflag:$0x1], $0x80, v4, vm0, $0xb8;
	[tilespmem:$0xC100] =	vst v63  }
0x30: {  	s10 =	rddreg [dreg:$0xa]  }
0x31: {  	[hbm4b:s5+s2] =	stream.indirect_vreg.scatter [tilespmem:s10], [sflag:$0x1], $0x80, v4, vm0, $0xb8;
	[tilespmem:$0xC100] =	vst v63  }
0x32: {  	s0 =	rddreg [dreg:$0xb]  }
0x33: {  	[hbm4b:s3+s2] =	stream.indirect_vreg.scatter [tilespmem:s0], [sflag:$0x1], $0x80, v3, vm0, $0xb8;
	[tilespmem:$0xC100] =	vst v63  }
0x34: {  	s10 =	simm.s32 $0x2080  }
0x35: {  	[hbm4b:s4+s2] =	stream.indirect_vreg.scatter [tilespmem:s10], [sflag:$0x1], $0x80, v3, vm0, $0xb8;
	[tilespmem:$0xC100] =	vst v63  }
0x36: {  	_ = 	snop  }
0x37: {  	[hbm4b:s5+s2] =	stream.indirect_vreg.scatter [tilespmem:s11], [sflag:$0x1], $0x80, v3, vm0, $0xb8;
	[tilespmem:$0xC100] =	vst v63  }
0x38: {  	v3 =	vld [tilespmem:$0x10];
	_ =	sdelay $0x4  }
0x39: {  	v61 =	vshrl.u32 v3, $0x3  }
0x3a: {  	v4 =	vmul.u32 $0x30, v61  }
0x3b: {  	v3 =	vand.u32 $0x7, v3  }
0x3c: {  	v3 =	vor.u32 v3, v4  }
0x3d: {  	v4 =	vperm.xlane v3, v0;
	_ =	sdelay $0x1  }
0x3e: {  	v4 =	vadd.s32 v1, v4;
	_ =	sdelay $0x3  }
0x3f: {  	v3 =	vperm.xlane v3, v2  }
0x40: {  	[hbm4b:s3+s2] =	stream.indirect_vreg.scatter [tilespmem:s12], [sflag:$0x1], $0x80, v4, vm0, $0xb8;
	[tilespmem:$0xC100] =	vst v63  }
0x41: {  	v3 =	vadd.s32 v1, v3  }
0x42: {  	[hbm4b:s4+s2] =	stream.indirect_vreg.scatter [tilespmem:s13], [sflag:$0x1], $0x80, v4, vm0, $0xb8;
	[tilespmem:$0xC100] =	vst v63  }
0x43: {  	_ = 	snop  }
0x44: {  	[hbm4b:s5+s2] =	stream.indirect_vreg.scatter [tilespmem:s14], [sflag:$0x1], $0x80, v4, vm0, $0xb8;
	[tilespmem:$0xC100] =	vst v63  }
0x45: {  	_ = 	snop  }
0x46: {  	[hbm4b:s3+s2] =	stream.indirect_vreg.scatter [tilespmem:s15], [sflag:$0x1], $0x80, v3, vm0, $0xb8;
	[tilespmem:$0xC100] =	vst v63  }
0x47: {  	_ = 	snop  }
0x48: {  	[hbm4b:s4+s2] =	stream.indirect_vreg.scatter [tilespmem:s16], [sflag:$0x1], $0x80, v3, vm0, $0xb8;
	[tilespmem:$0xC100] =	vst v63  }
0x49: {  	_ = 	snop  }
0x4a: {  	[hbm4b:s5+s2] =	stream.indirect_vreg.scatter [tilespmem:s17], [sflag:$0x1], $0x80, v3, vm0, $0xb8;
	[tilespmem:$0xC100] =	vst v63  }
0x4b: {  	v3 =	vld [tilespmem:$0x20];
	_ =	sdelay $0x4  }
0x4c: {  	v62 =	vshrl.u32 v3, $0x3  }
0x4d: {  	v4 =	vmul.u32 $0x30, v62  }
0x4e: {  	v3 =	vand.u32 $0x7, v3  }
0x4f: {  	v3 =	vor.u32 v3, v4  }
0x50: {  	v4 =	vperm.xlane v3, v0;
	_ =	sdelay $0x1  }
0x51: {  	v4 =	vadd.s32 v1, v4;
	_ =	sdelay $0x3  }
0x52: {  	v3 =	vperm.xlane v3, v2  }
0x53: {  	[hbm4b:s3+s2] =	stream.indirect_vreg.scatter [tilespmem:s18], [sflag:$0x1], $0x80, v4, vm0, $0xb8;
	[tilespmem:$0xC100] =	vst v63  }
0x54: {  	v3 =	vadd.s32 v1, v3  }
0x55: {  	[hbm4b:s4+s2] =	stream.indirect_vreg.scatter [tilespmem:s19], [sflag:$0x1], $0x80, v4, vm0, $0xb8;
	[tilespmem:$0xC100] =	vst v63  }
0x56: {  	_ = 	snop  }
0x57: {  	[hbm4b:s5+s2] =	stream.indirect_vreg.scatter [tilespmem:s20], [sflag:$0x1], $0x80, v4, vm0, $0xb8;
	[tilespmem:$0xC100] =	vst v63  }
0x58: {  	_ = 	snop  }
0x59: {  	[hbm4b:s3+s2] =	stream.indirect_vreg.scatter [tilespmem:s21], [sflag:$0x1], $0x80, v3, vm0, $0xb8;
	[tilespmem:$0xC100] =	vst v63  }
0x5a: {  	_ = 	snop  }
0x5b: {  	[hbm4b:s4+s2] =	stream.indirect_vreg.scatter [tilespmem:s22], [sflag:$0x1], $0x80, v3, vm0, $0xb8;
	[tilespmem:$0xC100] =	vst v63  }
0x5c: {  	_ = 	snop  }
0x5d: {  	[hbm4b:s5+s2] =	stream.indirect_vreg.scatter [tilespmem:s23], [sflag:$0x1], $0x80, v3, vm0, $0xb8;
	[tilespmem:$0xC100] =	vst v63  }
0x5e: {  	v3 =	vld [tilespmem:$0x30];
	_ =	sdelay $0x4  }
0x5f: {  	v63 =	vshrl.u32 v3, $0x3  }
0x60: {  	v4 =	vmul.u32 $0x30, v63  }
0x61: {  	v3 =	vand.u32 $0x7, v3  }
0x62: {  	v3 =	vor.u32 v3, v4  }
0x63: {  	v4 =	vperm.xlane v3, v0;
	_ =	sdelay $0x1  }
0x64: {  	v4 =	vadd.s32 v1, v4;
	_ =	sdelay $0x3  }
0x65: {  	v3 =	vperm.xlane v3, v2  }
0x66: {  	[hbm4b:s3+s2] =	stream.indirect_vreg.scatter [tilespmem:s24], [sflag:$0x1], $0x80, v4, vm0, $0xb8;
	[tilespmem:$0xC100] =	vst v63  }
0x67: {  	v3 =	vadd.s32 v1, v3  }
0x68: {  	[hbm4b:s4+s2] =	stream.indirect_vreg.scatter [tilespmem:s25], [sflag:$0x1], $0x80, v4, vm0, $0xb8;
	[tilespmem:$0xC100] =	vst v63  }
0x69: {  	_ = 	snop  }
0x6a: {  	[hbm4b:s5+s2] =	stream.indirect_vreg.scatter [tilespmem:s26], [sflag:$0x1], $0x80, v4, vm0, $0xb8;
	[tilespmem:$0xC100] =	vst v63  }
0x6b: {  	_ = 	snop  }
0x6c: {  	[hbm4b:s3+s2] =	stream.indirect_vreg.scatter [tilespmem:s28], [sflag:$0x1], $0x80, v3, vm0, $0xb8;
	[tilespmem:$0xC100] =	vst v63  }
0x6d: {  	_ = 	snop  }
0x6e: {  	[hbm4b:s4+s2] =	stream.indirect_vreg.scatter [tilespmem:s29], [sflag:$0x1], $0x80, v3, vm0, $0xb8;
	[tilespmem:$0xC100] =	vst v63  }
0x6f: {  	_ = 	snop  }
0x70: {  	[hbm4b:s5+s2] =	stream.indirect_vreg.scatter [tilespmem:s30], [sflag:$0x1], $0x80, v3, vm0, $0xb8;
	[tilespmem:$0xC100] =	vst v63  }
0x71: {  	p0 =	sne.s32 s6, $0x1;
	_ =	swait.ge [sflag:s31], $0xC000  }
.Ltmp0:
0x72: {  	[sflag:s31] =	ssyncset.done $0x0;
	(pc) =	sbr.rel @p0 .LBB2_1-.Ltmp0, $4  }
0x73: {  	[sflag:s31] =	ssyncadd.s32 $0xFFFF4000  }
0x74: {  	_ =	swait.ge [sflag:s1], $0x40  }
0x75: {  	[sflag:s1] =	ssyncset.done $0x0  }
0x76: {  	s6 =	sadd.s32 $0xFFFFFFFF, s6;
	[sflag:s1] =	ssyncadd.s32 $0xFFFFFFC0  }
0x77: {  	_ =	sfence.sel $0x180000  }
0x78: {  	[bflag:$0x0] =	sbarrier.arrive $0xFFFF  }
0x79: {  	_ =	strace $0x90000047  }
0x7a: {  	s0 =	stileid.u32;
	[bflag:$0x2] =	sbarrier.arrive $0xFFFF  }
0x7b: {  	p0 =	sne.s32 s0, $0x0;
	s0 =	rddreg [dreg:$0x3]  }
0x7c: {  	s0 =	sadd.s32 @!p0 $0x100000, s0  }
0x7d: {  	[sflag:s0] =	ssyncadd.tile.s32 @!p0 $0x1;
	_ =	shalt  }
.Lfunc_end2:
_tile_overlayer_lowered:
.L_overlay_start_2:
0x7e: {  	(tag) =	ssettag $0x2  }
0x7f: {  	s0 =	rddreg [dreg:$0x0];
	s2 =	stileid.u32  }
0x80: {  	s1 =	rddreg [dreg:$0x1];
	p0 =	sne.s32 s2, $0x0  }
0x81: {  	s3 =	rddreg [dreg:$0x2];
	[bflag:$0x3] =	sbarrier.arrive $0xFFFF;
	s2 =	simm.s32 @!p0 $0x1C03  }
0x82: {  	[timem:s3], [sflag:s2] =	dma.local @!p0 [hbm:s0], s1  }
0x83: {  	s0 =	simm.s32 @!p0 $0x3  }
0x84: {  	_ =	swait.ge @!p0 [sflag:s0], s1  }
0x85: {  	s1 =	ssub.s32 @!p0 $0x0, s1;
	[sflag:s0] =	ssyncset.done @!p0 $0x0  }
0x86: {  	[sflag:s0] =	ssyncadd.s32 @!p0 s1  }
0x87: {  	[bflag:$0x3] =	sbarrier.arrive $0xFFFF  }
0x88: {  	_ =	shalt  }

// kernel: kernel.9.cloned.1.call-start
scs
__scs_entry_jumppad:
0x0: {  	(pc) =	sbr.rel $0x88, $3  }
0x1: {  	(tag) =	ssettag $0x0;
	lr =	simm.s32 $0x1  }
0x2: {  	[smem:$0x3F9B] =	sst lr;
	_ =	strace $0xD0000000  }
0x3: {  	_ = 	snop  }
0x4: {  	_ = 	snop  }
0x5: {  	_ = 	snop  }
0x6: {  	_ = 	snop  }
0x7: {  	_ = 	snop  }
__scs_overlays_trampoline_lowered:
0x8: {  	[smem:$0x3FAA] =	sst s0  }
0x9: {  	[smem:$0x3FAB] =	sst s1  }
0xa: {  	[smem:$0x3FAC] =	sst s2  }
0xb: {  	[smem:$0x3FAD] =	sst s3  }
0xc: {  	[smem:$0x3FAE] =	sst s4  }
0xd: {  	[smem:$0x3FAF] =	sst s5  }
0xe: {  	[smem:$0x3FB0] =	sst s6  }
0xf: {  	[smem:$0x3FB1] =	sst s7  }
0x10: {  	[smem:$0x3FB2] =	sst s8  }
0x11: {  	[smem:$0x3FB3] =	sst s9;
	s0 =	simm.s32 @!p0 $0x0  }
0x12: {  	s1 =	sld [smem:$0x3F99];
	s0 =	simm.s32 @p0 $0x1  }
0x13: {  	[smem:$0x3FB4] =	sst s0;
	s0 =	simm.s32 @!p1 $0x0  }
0x14: {  	s2 =	sld [smem:$0x3F98];
	s0 =	simm.s32 @p1 $0x1  }
0x15: {  	[smem:$0x3FB5] =	sst s0;
	s0 =	simm.s32 @!p2 $0x0  }
0x16: {  	s3 =	sld [smem:$0x3FDB];
	s0 =	simm.s32 @p2 $0x1  }
0x17: {  	s4 =	simm.s32 $0x1BF5;
	[smem:$0x3FB7] =	sst s0  }
0x18: {  	s0 =	sld [smem:$0x3F9A];
	_ =	swait.ge [sflag:s4], $0x0  }
0x19: {  	s7 =	sld [smem:$0x3F9B]  }
0x1a: {  	s8 =	sadd.s32 $0xFFFFE003, lr  }
0x1b: {  	s9 =	sadd.s32 $0xFFFFFEF7, lr;
	s5 =	simm.s32 $0xFFFFFFFF;
	p2 =	slt.u32 s8, $0xFFFFF086  }
0x1c: {  	p1 =	slt.u32 s9, $0xF7A;
	s5 =	simm.s32 @!p2 $0x0  }
0x1d: {  	s5 =	simm.s32 @p1 $0x1;
	p0 =	seq.s32 s7, s2  }
0x1e: {  	s7 =	smul.u32 @!p0 $0xF7A, s2;
	p2 =	seq.s32 @!p0 s5, $0x0  }
0x1f: {  	s9 =	smul.u32 $0xF7A, s1;
	s8 =	simm.s32 @!p0 $0x1BF5;
	p2 =	por !p2, p0  }
0x20: {  	[sflag:s8] =	ssyncset.s32 @!p0 $0xFFFFF086;
	s6 =	sadd.s32 @!p0 s3, s7;
	s7 =	simm.s32 @!p0 $0x108  }
0x21: {  	s3 =	sadd.s32 s3, s9;
	s6 =	sadd.s32 @!p0 $0x88, s6;
	s7 =	simm.s32 @p2 $0x1082  }
0x22: {  	[simem:s7], [sflag:s8] =	dma.local @!p0 [hbm:s6], $0xF7A  }
0x23: {  	s9 =	sor.u32 $0xD0000000, s2;
	s6 =	simm.s32 $0x108;
	_ =	swait.ge @!p0 [sflag:s8], $0x0  }
0x24: {  	s3 =	sadd.s32 $0x88, s3;
	s6 =	simm.s32 @!p1 $0x1082;
	[sflag:s4] =	ssyncset.s32 $0xFFFFF086  }
0x25: {  	[simem:s6], [sflag:s4] =	dma.local [hbm:s3], $0xF7A  }
0x26: {  	[smem:$0x3F9B] =	sst s1;
	(tag) =	ssettag s2;
	_ =	strace s9  }
0x27: {  	s1 =	sld [smem:$0x3FAB]  }
0x28: {  	s2 =	sld [smem:$0x3FAC]  }
0x29: {  	s4 =	sld [smem:$0x3FAE]  }
0x2a: {  	p0 =	seq.s32 s5, $0x0;
	s5 =	sld [smem:$0x3FAF]  }
0x2b: {  	s6 =	sld [smem:$0x3FB0]  }
0x2c: {  	s7 =	sld [smem:$0x3FB1]  }
0x2d: {  	s3 =	simm.s32 $0x108;
	s8 =	sld [smem:$0x3FB2]  }
0x2e: {  	s3 =	simm.s32 @!p0 $0x1082;
	s9 =	sld [smem:$0x3FB3]  }
0x2f: {  	lr =	sadd.s32 s0, s3;
	s0 =	sld [smem:$0x3FAA]  }
0x30: {  	s3 =	sld [smem:$0x3FAD]  }
0x31: {  	[smem:$0x3FB6] =	sst s10  }
0x32: {  	s10 =	sld [smem:$0x3FB4];
	_ =	sdelay $0x3  }
0x33: {  	p0 =	seq.s32 s10, $0x1;
	s10 =	sld [smem:$0x3FB6];
	_ =	sdelay $0x3  }
0x34: {  	[smem:$0x3FB6] =	sst s10  }
0x35: {  	s10 =	sld [smem:$0x3FB5];
	_ =	sdelay $0x3  }
0x36: {  	p1 =	seq.s32 s10, $0x1;
	s10 =	sld [smem:$0x3FB6];
	_ =	sdelay $0x3  }
0x37: {  	[smem:$0x3FB6] =	sst s10  }
0x38: {  	s10 =	sld [smem:$0x3FB7]  }
0x39: {  	_ = 	snop;
	(pc) =	sbr.ind lr, $3  }
0x3a: {  	_ = 	snop  }
0x3b: {  	_ = 	snop  }
0x3c: {  	p2 =	seq.s32 s10, $0x1;
	s10 =	sld [smem:$0x3FB6]  }
0x3d: {  	_ =	shalt  }
0x3e: {  	_ =	shalt  }
0x3f: {  	_ =	shalt  }
0x40: {  	_ =	shalt  }
0x41: {  	_ =	shalt  }
0x42: {  	_ =	shalt  }
0x43: {  	_ =	shalt  }
0x44: {  	_ =	shalt  }
0x45: {  	_ =	shalt  }
0x46: {  	_ =	shalt  }
0x47: {  	_ =	shalt  }
0x48: {  	_ =	shalt  }
0x49: {  	_ =	shalt  }
0x4a: {  	_ =	shalt  }
0x4b: {  	_ =	shalt  }
0x4c: {  	_ =	shalt  }
0x4d: {  	_ =	shalt  }
0x4e: {  	_ =	shalt  }
0x4f: {  	_ =	shalt  }
0x50: {  	_ =	shalt  }
0x51: {  	_ =	shalt  }
0x52: {  	_ =	shalt  }
0x53: {  	_ =	shalt  }
0x54: {  	_ =	shalt  }
0x55: {  	_ =	shalt  }
0x56: {  	_ =	shalt  }
0x57: {  	_ =	shalt  }
0x58: {  	_ =	shalt  }
0x59: {  	_ =	shalt  }
0x5a: {  	_ =	shalt  }
0x5b: {  	_ =	shalt  }
0x5c: {  	_ =	shalt  }
0x5d: {  	_ =	shalt  }
0x5e: {  	_ =	shalt  }
0x5f: {  	_ =	shalt  }
0x60: {  	_ =	shalt  }
0x61: {  	_ =	shalt  }
0x62: {  	_ =	shalt  }
0x63: {  	_ =	shalt  }
0x64: {  	_ =	shalt  }
0x65: {  	_ =	shalt  }
0x66: {  	_ =	shalt  }
0x67: {  	_ =	shalt  }
0x68: {  	_ =	shalt  }
0x69: {  	_ =	shalt  }
0x6a: {  	_ =	shalt  }
0x6b: {  	_ =	shalt  }
0x6c: {  	_ =	shalt  }
0x6d: {  	_ =	shalt  }
0x6e: {  	_ =	shalt  }
0x6f: {  	_ =	shalt  }
0x70: {  	_ =	shalt  }
0x71: {  	_ =	shalt  }
0x72: {  	_ =	shalt  }
0x73: {  	_ =	shalt  }
0x74: {  	_ =	shalt  }
0x75: {  	_ =	shalt  }
0x76: {  	_ =	shalt  }
0x77: {  	_ =	shalt  }
0x78: {  	_ =	shalt  }
0x79: {  	_ =	shalt  }
0x7a: {  	_ =	shalt  }
0x7b: {  	_ =	shalt  }
0x7c: {  	_ =	shalt  }
0x7d: {  	_ =	shalt  }
0x7e: {  	_ =	shalt  }
0x7f: {  	_ =	shalt  }
0x80: {  	_ =	shalt  }
0x81: {  	_ =	shalt  }
0x82: {  	_ =	shalt  }
0x83: {  	_ =	shalt  }
0x84: {  	_ =	shalt  }
0x85: {  	_ =	shalt  }
0x86: {  	_ =	shalt  }
0x87: {  	_ =	shalt  }
.Lfunc_end0:
.L_simem_size_0:
called_computation.1_lowered:
.L_overlay_start_0:
0x88: {  	s2 =	sld [smem:$0x3FD9]  }
0x89: {  	s3 =	sld [smem:$0x3FFE];
	_ =	sdelay $0x1  }
0x8a: {  	s1 =	srdreg.scid  }
0x8b: {  	s0 =	sand.u32 $0x1, s1  }
0x8c: {  	s17 =	sshll.u32 s0, $0xA;
	s2 =	sadd.s32 s3, s2  }
0x8d: {  	s2 =	sadd.s32 s2, s17  }
0x8e: {  	[smem:$0x3FC2] =	sst s2  }
0x8f: {  	_ = 	snop  }
0x90: {  	s2 =	sld [smem:$0x3FD0];
	(tm) =	ssettm $0x1  }
0x91: {  	s18 =	sld [smem:$0x3FFB];
	_ =	sdelay $0x3  }
0x92: {  	_ =	strace s18  }
0x93: {  	s3 =	sld [smem:$0x3FFC];
	_ =	sdelay $0x3  }
0x94: {  	_ =	strace s3  }
0x95: {  	s3 =	sld [smem:$0x3FFD];
	_ =	sdelay $0x3  }
0x96: {  	_ =	strace s3  }
0x97: {  	_ =	strace $0x8FFFFFFF  }
0x98: {  	s19 =	sld [smem:$0x3FDB];
	_ =	sdelay $0x1  }
0x99: {  	s4 =	simm.s32 $_scs_section_size  }
0x9a: {  	s5 =	simm.s32 $_size__tile_overlayer_lowered;
	s6 =	simm.s32 $_tile_overlayer_lowered  }
0x9b: {  	s22 =	simm.s32 $0x1BFF;
	s21 =	sshll.u32 s6, $0x1;
	s3 =	sadd.s32 s4, s19  }
0x9c: {  	s7 =	simm.s32 $0x0;
	s20 =	sshll.u32 s5, $0x1;
	s5 =	sadd.s32 s21, s3  }
0x9d: {  	[timem:s7], [sflag:s22] =	dma.local [hbm:s5], s20  }
0x9e: {  	_ =	swait.ge [sflag:s22], s20  }
0x9f: {  	s4 =	ssub.s32 $0x0, s20;
	[sflag:s22] =	ssyncset.done $0x0  }
0xa0: {  	[sflag:s22] =	ssyncadd.s32 s4;
	_ =	sdelay $0x1  }
0xa1: {  	s23 =	simm.s32 $0x1B8B  }
0xa2: {  	_ =	swait.ge [sflag:s23], $0x1  }
0xa3: {  	[sflag:s23] =	ssyncset.done $0x0  }
0xa4: {  	s25 =	simm.s32 $0x1B8E;
	s24 =	sld [smem:$0x3FFE];
	[sflag:s23] =	ssyncadd.s32 $0xFFFFFFFF  }
0xa5: {  	s26 =	simm.s32 $execute0_lowered;
	[smem:$0x3FD2] =	sst s25  }
0xa6: {  	s5 =	sshll.u32 s26, $0x1;
	_ =	strace $0x80000049;
	[dreg:$0x1] =	wrdreg $0xFFFFFFFF  }
0xa7: {  	s28 =	simm.s32 $_size_execute0_lowered;
	s3 =	sadd.s32 s3, s5;
	[dreg:$0x0] =	wrdreg $0x0  }
0xa8: {  	s5 =	sshll.u32 s28, $0x1;
	[dreg:$0x2] =	wrdreg s3  }
0xa9: {  	[dreg:$0x3] =	wrdreg s5  }
0xaa: {  	[dreg:$0x4] =	wrdreg $0xC0  }
0xab: {  	_ =	task [dreg:s7], $0x5FFFF  }
0xac: {  	[dreg:$0x1] =	wrdreg $0xFFFFFFFF  }
0xad: {  	[dreg:$0x0] =	wrdreg $0x60  }
0xae: {  	[dreg:$0x2] =	wrdreg s24  }
0xaf: {  	[dreg:$0x3] =	wrdreg s2  }
0xb0: {  	[dreg:$0x4] =	wrdreg $0x9  }
0xb1: {  	_ =	task.clear_ibuf [dreg:s7], $0x5FFFF;
	_ =	strace $0x90000049  }
0xb2: {  	s29 =	simm.s32 $0x9;
	_ =	strace $0x8000004B  }
0xb3: {  	_ =	swait.ge [sflag:s29], $0x1  }
0xb4: {  	[sflag:s29] =	ssyncadd.s32 $0xFFFFFFFF  }
0xb5: {  	_ =	strace $0x9000004B  }
0xb6: {  	_ =	sfence  }
0xb7: {  	s30 =	sld [smem:$0x0];
	_ =	sdelay $0x2  }
0xb8: {  	s31 =	sshll.u32 s1, $0xD;
	s1 =	sshrl.u32 s1, $0x2  }
0xb9: {  	s3 =	sand.u32 $0x4000, s31;
	s1 =	sadd.s32 s1, s30  }
0xba: {  	s0 =	sor.u32 s3, s0;
	s1 =	sshll.u32 s1, $0x11  }
0xbb: {  	s0 =	sor.u32 s1, s0  }
0xbc: {  	s0 =	sadd.s32 $0x8F2B, s0  }
0xbd: {  	[sflag:s0] =	ssyncadd.remote.s32 $0x1  }
0xbe: {  	_ =	sfence.sel $0xFFFF  }
0xbf: {  	[dreg:$0x0] =	wrdreg $0xFFFFFFFF;
	(pc) =	sbr.abs _section_cstart, $3  }
0xc0: {  	[dreg:$0x1] =	wrdreg $0xFFFFFFFF  }
0xc1: {  	_ =	task.clear_ibuf [dreg:s7], $0x2FFFF;
	_ =	strace $0x9FFFFFFF  }
0xc2: {  	(tm) =	ssettm $0x7FFFFFFF  }
0xc3: {  	_ =	shalt  }
tec
execute0_lowered:
.L_overlay_start_1:
0x0: {  	(tag) =	ssettag $0x1  }
0x1: {  	s0 =	rddreg [dreg:$0x0]  }
0x2: {  	s5 =	rddreg [dreg:$0x1];
	s3 =	srdreg.scid  }
0x3: {  	s1 =	stileid.u32;
	s2 =	simm.s32 $0x0;
	s26 =	simm.s32 $0x880  }
0x4: {  	s10 =	simm.s32 $0x1880;
	s11 =	simm.s32 $0x2080;
	s12 =	simm.s32 $0x2880  }
0x5: {  	s13 =	simm.s32 $0x3080;
	s14 =	simm.s32 $0x3880;
	s15 =	simm.s32 $0x4080  }
0x6: {  	s16 =	simm.s32 $0x4880;
	s17 =	simm.s32 $0x5080;
	s18 =	simm.s32 $0x5880  }
0x7: {  	s19 =	simm.s32 $0x6080;
	s20 =	simm.s32 $0x6880;
	s21 =	simm.s32 $0x7080  }
0x8: {  	s22 =	simm.s32 $0x7880;
	s23 =	simm.s32 $0x8080;
	s28 =	simm.s32 $0xA080  }
0x9: {  	s29 =	simm.s32 $0xA880;
	s30 =	simm.s32 $0xB080;
	s31 =	simm.s32 $0xB880  }
0xa: {  	s3 =	sand.u32 $0x1, s3;
	s4 =	sshll.u32 s1, $0x1;
	[smem:$0x7FF] =	sst s2  }
0xb: {  	s4 =	sor.u32 s3, s4;
	_ =	strace $0x8000004A;
	s7 =	ssub.s32 $0x2, s3  }
0xc: {  	s3 =	sadd.s32 $0xE00, s0;
	[dreg:$0x5] =	wrdreg s26;
	s26 =	simm.s32 $0x9880  }
0xd: {  	s6 =	sshll.u32 s4, $0x4;
	s8 =	sshrl.u32 s7, $0x1;
	s9 =	smul.u32 $0x1800, s4  }
0xe: {  	s4 =	sadd.s32 $0xF00, s0;
	s6 =	sadd.s32 s6, s0;
	s7 =	ssub.s32 s7, s8  }
0xf: {  	s8 =	simm.s32 $0x80;
	s24 =	sadd.s32 $0xC00, s6;
	s25 =	sadd.s32 s5, s9  }
0x10: {  	v2 =	vlaneseq.u32;
	s5 =	sadd.s32 $0x1000, s0;
	s6 =	smax.u32 s7, $0x1;
	s7 =	simm.s32 $0x2  }
0x11: {  	vm0 =	vmmov $0xffff;
	v1 =	vshrl.u32 v2, $0x3;
	s9 =	simm.s32 $0x1080;
	s0 =	simm.s32 $0x1;
	[dreg:$0x3] =	wrdreg s24  }
0x12: {  	v0 =	vand.u32 $0x7, v2;
	v2 =	vor.u32 $0x8, v2;
	v1 =	vmul.u32 $0x8, v1;
	[dreg:$0x4] =	wrdreg s25;
	s24 =	simm.s32 $0x8880;
	s25 =	simm.s32 $0x9080  }
.LBB2_1:
0x13: {  	s1 =	rddreg [dreg:$0x3]  }
0x14: {  	[tilespmem:s2], [sflag:$0x2] =	stream.linear.gather [hbm4b:s1+s2], $0x80, $0x38;
	[tilespmem:$0xC080] =	vst v63  }
0x15: {  	_ =	swait.ge [sflag:s7], $0x80  }
0x16: {  	[sflag:s7] =	ssyncset.done $0x0  }
0x17: {  	[sflag:s7] =	ssyncadd.s32 $0xFFFFFF80  }
0x18: {  	v3 =	vld [tilespmem:$0x0];
	_ =	sdelay $0x4  }
0x19: {  	v4 =	vshrl.u32 v3, $0x3  }
0x1a: {  	v4 =	vmul.u32 $0x30, v4  }
0x1b: {  	v3 =	vand.u32 $0x7, v3  }
0x1c: {  	v3 =	vor.u32 v3, v4  }
0x1d: {  	v4 =	vperm.xlane v3, v0;
	_ =	sdelay $0x1  }
0x1e: {  	v4 =	vadd.s32 v1, v4;
	_ =	sdelay $0x3  }
0x1f: {  	v3 =	vperm.xlane v3, v2  }
0x20: {  	[tilespmem:s8], [sflag:$0x1] =	stream.indirect_vreg.gather [hbm4b:s3+s2], $0x80, v4, vm0, $0xb8;
	[tilespmem:$0xC080] =	vst v63  }
0x21: {  	s1 =	rddreg [dreg:$0x5];
	v3 =	vadd.s32 v1, v3  }
0x22: {  	[tilespmem:s1], [sflag:$0x1] =	stream.indirect_vreg.gather [hbm4b:s4+s2], $0x80, v4, vm0, $0xb8;
	[tilespmem:$0xC080] =	vst v63  }
0x23: {  	_ = 	snop  }
0x24: {  	[tilespmem:s9], [sflag:$0x1] =	stream.indirect_vreg.gather [hbm4b:s5+s2], $0x80, v4, vm0, $0xb8;
	[tilespmem:$0xC080] =	vst v63  }
0x25: {  	_ = 	snop  }
0x26: {  	[tilespmem:s10], [sflag:$0x1] =	stream.indirect_vreg.gather [hbm4b:s3+s2], $0x80, v3, vm0, $0xb8;
	[tilespmem:$0xC080] =	vst v63  }
0x27: {  	_ = 	snop  }
0x28: {  	[tilespmem:s11], [sflag:$0x1] =	stream.indirect_vreg.gather [hbm4b:s4+s2], $0x80, v3, vm0, $0xb8;
	[tilespmem:$0xC080] =	vst v63  }
0x29: {  	_ = 	snop  }
0x2a: {  	[tilespmem:s12], [sflag:$0x1] =	stream.indirect_vreg.gather [hbm4b:s5+s2], $0x80, v3, vm0, $0xb8;
	[tilespmem:$0xC080] =	vst v63  }
0x2b: {  	v3 =	vld [tilespmem:$0x10];
	_ =	sdelay $0x4  }
0x2c: {  	v61 =	vshrl.u32 v3, $0x3  }
0x2d: {  	v4 =	vmul.u32 $0x30, v61  }
0x2e: {  	v3 =	vand.u32 $0x7, v3  }
0x2f: {  	v3 =	vor.u32 v3, v4  }
0x30: {  	v4 =	vperm.xlane v3, v0;
	_ =	sdelay $0x1  }
0x31: {  	v4 =	vadd.s32 v1, v4;
	_ =	sdelay $0x3  }
0x32: {  	v3 =	vperm.xlane v3, v2  }
0x33: {  	[tilespmem:s13], [sflag:$0x1] =	stream.indirect_vreg.gather [hbm4b:s3+s2], $0x80, v4, vm0, $0xb8;
	[tilespmem:$0xC080] =	vst v63  }
0x34: {  	v3 =	vadd.s32 v1, v3  }
0x35: {  	[tilespmem:s14], [sflag:$0x1] =	stream.indirect_vreg.gather [hbm4b:s4+s2], $0x80, v4, vm0, $0xb8;
	[tilespmem:$0xC080] =	vst v63  }
0x36: {  	_ = 	snop  }
0x37: {  	[tilespmem:s15], [sflag:$0x1] =	stream.indirect_vreg.gather [hbm4b:s5+s2], $0x80, v4, vm0, $0xb8;
	[tilespmem:$0xC080] =	vst v63  }
0x38: {  	_ = 	snop  }
0x39: {  	[tilespmem:s16], [sflag:$0x1] =	stream.indirect_vreg.gather [hbm4b:s3+s2], $0x80, v3, vm0, $0xb8;
	[tilespmem:$0xC080] =	vst v63  }
0x3a: {  	_ = 	snop  }
0x3b: {  	[tilespmem:s17], [sflag:$0x1] =	stream.indirect_vreg.gather [hbm4b:s4+s2], $0x80, v3, vm0, $0xb8;
	[tilespmem:$0xC080] =	vst v63  }
0x3c: {  	_ = 	snop  }
0x3d: {  	[tilespmem:s18], [sflag:$0x1] =	stream.indirect_vreg.gather [hbm4b:s5+s2], $0x80, v3, vm0, $0xb8;
	[tilespmem:$0xC080] =	vst v63  }
0x3e: {  	v3 =	vld [tilespmem:$0x20];
	_ =	sdelay $0x4  }
0x3f: {  	v62 =	vshrl.u32 v3, $0x3  }
0x40: {  	v4 =	vmul.u32 $0x30, v62  }
0x41: {  	v3 =	vand.u32 $0x7, v3  }
0x42: {  	v3 =	vor.u32 v3, v4  }
0x43: {  	v4 =	vperm.xlane v3, v0;
	_ =	sdelay $0x1  }
0x44: {  	v4 =	vadd.s32 v1, v4;
	_ =	sdelay $0x3  }
0x45: {  	v3 =	vperm.xlane v3, v2  }
0x46: {  	[tilespmem:s19], [sflag:$0x1] =	stream.indirect_vreg.gather [hbm4b:s3+s2], $0x80, v4, vm0, $0xb8;
	[tilespmem:$0xC080] =	vst v63  }
0x47: {  	v3 =	vadd.s32 v1, v3  }
0x48: {  	[tilespmem:s20], [sflag:$0x1] =	stream.indirect_vreg.gather [hbm4b:s4+s2], $0x80, v4, vm0, $0xb8;
	[tilespmem:$0xC080] =	vst v63  }
0x49: {  	_ = 	snop  }
0x4a: {  	[tilespmem:s21], [sflag:$0x1] =	stream.indirect_vreg.gather [hbm4b:s5+s2], $0x80, v4, vm0, $0xb8;
	[tilespmem:$0xC080] =	vst v63  }
0x4b: {  	_ = 	snop  }
0x4c: {  	[tilespmem:s22], [sflag:$0x1] =	stream.indirect_vreg.gather [hbm4b:s3+s2], $0x80, v3, vm0, $0xb8;
	[tilespmem:$0xC080] =	vst v63  }
0x4d: {  	_ = 	snop  }
0x4e: {  	[tilespmem:s23], [sflag:$0x1] =	stream.indirect_vreg.gather [hbm4b:s4+s2], $0x80, v3, vm0, $0xb8;
	[tilespmem:$0xC080] =	vst v63  }
0x4f: {  	_ = 	snop  }
0x50: {  	[tilespmem:s24], [sflag:$0x1] =	stream.indirect_vreg.gather [hbm4b:s5+s2], $0x80, v3, vm0, $0xb8;
	[tilespmem:$0xC080] =	vst v63  }
0x51: {  	v3 =	vld [tilespmem:$0x30];
	_ =	sdelay $0x4  }
0x52: {  	v63 =	vshrl.u32 v3, $0x3  }
0x53: {  	v4 =	vmul.u32 $0x30, v63  }
0x54: {  	v3 =	vand.u32 $0x7, v3  }
0x55: {  	v3 =	vor.u32 v3, v4  }
0x56: {  	v4 =	vperm.xlane v3, v0;
	_ =	sdelay $0x1  }
0x57: {  	v4 =	vadd.s32 v1, v4;
	_ =	sdelay $0x3  }
0x58: {  	v3 =	vperm.xlane v3, v2  }
0x59: {  	[tilespmem:s25], [sflag:$0x1] =	stream.indirect_vreg.gather [hbm4b:s3+s2], $0x80, v4, vm0, $0xb8;
	[tilespmem:$0xC080] =	vst v63  }
0x5a: {  	v3 =	vadd.s32 v1, v3  }
0x5b: {  	[tilespmem:s26], [sflag:$0x1] =	stream.indirect_vreg.gather [hbm4b:s4+s2], $0x80, v4, vm0, $0xb8;
	[tilespmem:$0xC080] =	vst v63  }
0x5c: {  	_ = 	snop  }
0x5d: {  	[tilespmem:s28], [sflag:$0x1] =	stream.indirect_vreg.gather [hbm4b:s5+s2], $0x80, v4, vm0, $0xb8;
	[tilespmem:$0xC080] =	vst v63  }
0x5e: {  	_ = 	snop  }
0x5f: {  	[tilespmem:s29], [sflag:$0x1] =	stream.indirect_vreg.gather [hbm4b:s3+s2], $0x80, v3, vm0, $0xb8;
	[tilespmem:$0xC080] =	vst v63  }
0x60: {  	_ = 	snop  }
0x61: {  	[tilespmem:s30], [sflag:$0x1] =	stream.indirect_vreg.gather [hbm4b:s4+s2], $0x80, v3, vm0, $0xb8;
	[tilespmem:$0xC080] =	vst v63  }
0x62: {  	_ = 	snop  }
0x63: {  	[tilespmem:s31], [sflag:$0x1] =	stream.indirect_vreg.gather [hbm4b:s5+s2], $0x80, v3, vm0, $0xb8;
	[tilespmem:$0xC080] =	vst v63  }
0x64: {  	_ =	swait.ge [sflag:s0], $0xC000  }
0x65: {  	p0 =	sne.s32 s6, $0x1;
	[sflag:s0] =	ssyncset.done $0x0  }
.Ltmp0:
0x66: {  	s1 =	rddreg [dreg:$0x4];
	[sflag:s0] =	ssyncadd.s32 $0xFFFF4000;
	(pc) =	sbr.rel @p0 .LBB2_1-.Ltmp0, $4  }
0x67: {  	[hbm4b:s1+s2] =	stream.linear.scatter [tilespmem:s8], [sflag:$0x2], $0xC000, $0x38;
	[tilespmem:$0xC080] =	vst v63  }
0x68: {  	_ =	swait.ge [sflag:s7], $0xC000  }
0x69: {  	[sflag:s7] =	ssyncset.done $0x0  }
0x6a: {  	s6 =	sadd.s32 $0xFFFFFFFF, s6;
	[sflag:s7] =	ssyncadd.s32 $0xFFFF4000  }
0x6b: {  	_ =	sfence.sel $0x180000  }
0x6c: {  	[bflag:$0x0] =	sbarrier.arrive $0xFFFF  }
0x6d: {  	_ =	strace $0x9000004A  }
0x6e: {  	s0 =	stileid.u32;
	[bflag:$0x2] =	sbarrier.arrive $0xFFFF  }
0x6f: {  	p0 =	sne.s32 s0, $0x0;
	s0 =	rddreg [dreg:$0x2]  }
0x70: {  	s0 =	sadd.s32 @!p0 $0x100000, s0  }
0x71: {  	[sflag:s0] =	ssyncadd.tile.s32 @!p0 $0x1;
	_ =	shalt  }
.Lfunc_end2:
_tile_overlayer_lowered:
.L_overlay_start_2:
0x72: {  	(tag) =	ssettag $0x2  }
0x73: {  	s0 =	rddreg [dreg:$0x0];
	s2 =	stileid.u32  }
0x74: {  	s1 =	rddreg [dreg:$0x1];
	p0 =	sne.s32 s2, $0x0  }
0x75: {  	s3 =	rddreg [dreg:$0x2];
	[bflag:$0x3] =	sbarrier.arrive $0xFFFF;
	s2 =	simm.s32 @!p0 $0x1C02  }
0x76: {  	[timem:s3], [sflag:s2] =	dma.local @!p0 [hbm:s0], s1  }
0x77: {  	s0 =	simm.s32 @!p0 $0x2  }
0x78: {  	_ =	swait.ge @!p0 [sflag:s0], s1  }
0x79: {  	s1 =	ssub.s32 @!p0 $0x0, s1;
	[sflag:s0] =	ssyncset.done @!p0 $0x0  }
0x7a: {  	[sflag:s0] =	ssyncadd.s32 @!p0 s1  }
0x7b: {  	[bflag:$0x3] =	sbarrier.arrive $0xFFFF  }
0x7c: {  	_ =	shalt  }

</sc_bundles>
